<compile_context>
chip_gen: v7x
topology: tpu7x:2x2x1
jax: 0.10.2.dev20260603
libtpu: 0.0.44.dev20260713+nightly
codegen_flags: <defaults>
</compile_context>

<pallas_src>
import functools

import jax
import jax.numpy as jnp
from jax import lax
from jax.experimental import pallas as pl
from jax.experimental.pallas import tpu as pltpu
from jax.experimental.pallas import tpu_sc as plsc

_B, _N, _G, _K = 8, 8192, 512, 32
_NV = _N // 16

_MESH = plsc.VectorSubcoreMesh(core_axis_name="c", subcore_axis_name="s",
                               num_cores=2, num_subcores=16)


def _fps_body(px_hbm, py_hbm, pz_hbm, cx_hbm, cy_hbm, cz_hbm,
              px_v, py_v, pz_v, dist_v, cx_v, cy_v, cz_v):
    wid = lax.axis_index("c") * 16 + lax.axis_index("s")
    b = wid

    @pl.when(wid < _B)
    def _():
        pltpu.sync_copy(px_hbm.at[b], px_v)
        pltpu.sync_copy(py_hbm.at[b], py_v)
        pltpu.sync_copy(pz_hbm.at[b], pz_v)

        inf16 = jnp.full((16,), jnp.inf, dtype=jnp.float32)

        def init(j, carry):
            dist_v[pl.ds(j * 16, 16)] = inf16
            return carry

        lax.fori_loop(0, _NV, init, 0)

        lane = lax.iota(jnp.int32, 16)

        def put(ref, idx, val_vec):
            base = (idx >> 4) << 4
            off = idx & 15
            cur = ref[pl.ds(base, 16)]
            ref[pl.ds(base, 16)] = jnp.where(lane == off, val_vec, cur)

        vx0 = px_v[pl.ds(0, 16)]
        vy0 = py_v[pl.ds(0, 16)]
        vz0 = pz_v[pl.ds(0, 16)]
        lx0 = vx0[0]
        ly0 = vy0[0]
        lz0 = vz0[0]
        put(cx_v, 0, vx0)
        put(cy_v, 0, vy0)
        put(cz_v, 0, vz0)

        def step(i, carry):
            lx, ly, lz = carry

            def inner(j, mc):
                m_run, i_run = mc
                off = j * 16
                x = px_v[pl.ds(off, 16)]
                y = py_v[pl.ds(off, 16)]
                z = pz_v[pl.ds(off, 16)]
                dx = x - lx
                dy = y - ly
                dz = z - lz
                d = (dx * dx + dy * dy) + dz * dz
                dm = jnp.minimum(dist_v[pl.ds(off, 16)], d)
                dist_v[pl.ds(off, 16)] = dm
                upd = dm > m_run
                m_run = jnp.where(upd, dm, m_run)
                i_run = jnp.where(upd, jnp.full((16,), j, jnp.int32), i_run)
                return m_run, i_run

            m0 = jnp.full((16,), -jnp.inf, dtype=jnp.float32)
            i0 = jnp.zeros((16,), dtype=jnp.int32)
            m_run, i_run = lax.fori_loop(0, _NV, inner, (m0, i0), unroll=4)

            m = jnp.max(m_run)
            gidx = i_run * 16 + lane
            sel = jnp.where(m_run == m, gidx, jnp.int32(2**31 - 1))
            gmin = jnp.min(sel)

            iv = jnp.full((16,), gmin, dtype=jnp.int32)
            wx = plsc.load_gather(px_v, [iv])
            wy = plsc.load_gather(py_v, [iv])
            wz = plsc.load_gather(pz_v, [iv])
            nlx = wx[0]
            nly = wy[0]
            nlz = wz[0]
            put(cx_v, i + 1, wx)
            put(cy_v, i + 1, wy)
            put(cz_v, i + 1, wz)
            return nlx, nly, nlz

        lax.fori_loop(0, _G - 1, step, (lx0, ly0, lz0))

        pltpu.sync_copy(cx_v, cx_hbm.at[b])
        pltpu.sync_copy(cy_v, cy_hbm.at[b])
        pltpu.sync_copy(cz_v, cz_hbm.at[b])


_f32 = jnp.float32
_SC_PARAMS = pltpu.CompilerParams(needs_layout_passes=False)
_fps_call = functools.partial(
    pl.kernel,
    out_type=(jax.ShapeDtypeStruct((_B, _G), _f32),) * 3,
    mesh=_MESH,
    compiler_params=_SC_PARAMS,
    scratch_types=[
        pltpu.VMEM((_N,), _f32),
        pltpu.VMEM((_N,), _f32),
        pltpu.VMEM((_N,), _f32),
        pltpu.VMEM((_N,), _f32),
        pltpu.VMEM((_G,), _f32),
        pltpu.VMEM((_G,), _f32),
        pltpu.VMEM((_G,), _f32),
    ],
)(_fps_body)


_ROWS = _G // 4
_NBLK = 32
_BIG = 2**31 - 1


def _rnd_bf16(x):
    u = plsc.bitcast(x, jnp.int32)
    r = (u + 0x7FFF + ((u >> 16) & 1)) & jnp.int32(-65536)
    return plsc.bitcast(r, jnp.float32)


def _knn_body(px_hbm, py_hbm, pz_hbm, cx_hbm, cy_hbm, cz_hbm,
              nx_hbm, ny_hbm, nz_hbm,
              px_v, py_v, pz_v, pxb_v, pyb_v, pzb_v, p2_v,
              cx_v, cy_v, cz_v, dist_v, bmin_v, idx_v,
              outx_v, outy_v, outz_v):
    wid = lax.axis_index("c") * 16 + lax.axis_index("s")
    b = wid >> 2
    r0 = (wid & 3) * _ROWS

    pltpu.sync_copy(px_hbm.at[b], px_v)
    pltpu.sync_copy(py_hbm.at[b], py_v)
    pltpu.sync_copy(pz_hbm.at[b], pz_v)
    pltpu.sync_copy(cx_hbm.at[b, pl.ds(r0, _ROWS)], cx_v)
    pltpu.sync_copy(cy_hbm.at[b, pl.ds(r0, _ROWS)], cy_v)
    pltpu.sync_copy(cz_hbm.at[b, pl.ds(r0, _ROWS)], cz_v)

    lane = lax.iota(jnp.int32, 16)
    inf16 = jnp.full((16,), jnp.inf, dtype=jnp.float32)

    def put(ref, idx, val_vec):
        base = (idx >> 4) << 4
        off = idx & 15
        cur = ref[pl.ds(base, 16)]
        ref[pl.ds(base, 16)] = jnp.where(lane == off, val_vec, cur)

    def prep(j, carry):
        off = j * 16
        x = px_v[pl.ds(off, 16)]
        y = py_v[pl.ds(off, 16)]
        z = pz_v[pl.ds(off, 16)]
        p2_v[pl.ds(off, 16)] = (x * x + y * y) + z * z
        pxb_v[pl.ds(off, 16)] = _rnd_bf16(x)
        pyb_v[pl.ds(off, 16)] = _rnd_bf16(y)
        pzb_v[pl.ds(off, 16)] = _rnd_bf16(z)
        return carry

    lax.fori_loop(0, _NV, prep, 0, unroll=2)

    def row(g, carry):
        gv = jnp.full((16,), g, dtype=jnp.int32)
        cxs = plsc.load_gather(cx_v, [gv])
        cys = plsc.load_gather(cy_v, [gv])
        czs = plsc.load_gather(cz_v, [gv])
        c2v = (cxs * cxs + cys * cys) + czs * czs
        cxb = _rnd_bf16(cxs)
        cyb = _rnd_bf16(cys)
        czb = _rnd_bf16(czs)

        def blk(k, carry):
            def one(j2, mk):
                off = (k * 16 + j2) * 16
                xb = pxb_v[pl.ds(off, 16)]
                yb = pyb_v[pl.ds(off, 16)]
                zb = pzb_v[pl.ds(off, 16)]
                p2j = p2_v[pl.ds(off, 16)]
                cp = (cxb * xb + cyb * yb) + czb * zb
                d = (c2v + p2j) - 2.0 * cp
                dist_v[pl.ds(off, 16)] = d
                return jnp.minimum(mk, d)

            mk = lax.fori_loop(0, 16, one, inf16, unroll=4)
            bmin_v[pl.ds(k * 16, 16)] = mk
            return carry

        lax.fori_loop(0, _NBLK, blk, 0)

        def ext(k2, carry):
            def scan_b(kb, mi):
                mB, iB = mi
                v = bmin_v[pl.ds(kb * 16, 16)]
                upd = v < mB
                return (jnp.where(upd, v, mB),
                        jnp.where(upd, jnp.full((16,), kb, jnp.int32), iB))

            mB, iB = lax.fori_loop(0, _NBLK, scan_b, (inf16, jnp.zeros(
                (16,), jnp.int32)), unroll=4)
            m = jnp.min(mB)
            kstar = jnp.min(jnp.where(mB == m, iB, _BIG))

            def scan_m(j2, pr):
                off = (kstar * 16 + j2) * 16
                dv = dist_v[pl.ds(off, 16)]
                upd = (dv == m) & (pr == _BIG)
                return jnp.where(upd, jnp.full((16,), j2, jnp.int32), pr)

            pr = lax.fori_loop(0, 16, scan_m, jnp.full((16,), _BIG,
                                                       jnp.int32), unroll=4)
            loff = jnp.min(jnp.where(pr != _BIG, pr * 16 + lane, _BIG))
            gidx = kstar * 256 + loff

            put(idx_v, k2, jnp.full((16,), gidx, jnp.int32))
            put(dist_v, gidx, inf16)

            def remin(j2, mk):
                off = (kstar * 16 + j2) * 16
                return jnp.minimum(mk, dist_v[pl.ds(off, 16)])

            mk = lax.fori_loop(0, 16, remin, inf16, unroll=4)
            bmin_v[pl.ds(kstar * 16, 16)] = mk
            return carry

        lax.fori_loop(0, _K, ext, 0)

        iv0 = idx_v[pl.ds(0, 16)]
        iv1 = idx_v[pl.ds(16, 16)]
        outx_v[g, pl.ds(0, 16)] = plsc.load_gather(px_v, [iv0]) - cxs
        outx_v[g, pl.ds(16, 16)] = plsc.load_gather(px_v, [iv1]) - cxs
        outy_v[g, pl.ds(0, 16)] = plsc.load_gather(py_v, [iv0]) - cys
        outy_v[g, pl.ds(16, 16)] = plsc.load_gather(py_v, [iv1]) - cys
        outz_v[g, pl.ds(0, 16)] = plsc.load_gather(pz_v, [iv0]) - czs
        outz_v[g, pl.ds(16, 16)] = plsc.load_gather(pz_v, [iv1]) - czs
        return carry

    lax.fori_loop(0, _ROWS, row, 0)

    pltpu.sync_copy(outx_v, nx_hbm.at[b, pl.ds(r0, _ROWS)])
    pltpu.sync_copy(outy_v, ny_hbm.at[b, pl.ds(r0, _ROWS)])
    pltpu.sync_copy(outz_v, nz_hbm.at[b, pl.ds(r0, _ROWS)])


_knn_call = functools.partial(
    pl.kernel,
    out_type=(jax.ShapeDtypeStruct((_B, _G, _K), _f32),) * 3,
    mesh=_MESH,
    compiler_params=_SC_PARAMS,
    scratch_types=[
        pltpu.VMEM((_N,), _f32),
        pltpu.VMEM((_N,), _f32),
        pltpu.VMEM((_N,), _f32),
        pltpu.VMEM((_N,), _f32),
        pltpu.VMEM((_N,), _f32),
        pltpu.VMEM((_N,), _f32),
        pltpu.VMEM((_N,), _f32),
        pltpu.VMEM((_ROWS,), _f32),
        pltpu.VMEM((_ROWS,), _f32),
        pltpu.VMEM((_ROWS,), _f32),
        pltpu.VMEM((_N,), _f32),
        pltpu.VMEM((_NBLK * 16,), _f32),
        pltpu.VMEM((_K,), jnp.int32),
        pltpu.VMEM((_ROWS, _K), _f32),
        pltpu.VMEM((_ROWS, _K), _f32),
        pltpu.VMEM((_ROWS, _K), _f32),
    ],
)(_knn_body)


def kernel(pos):
    px = pos[:, :, 0]
    py = pos[:, :, 1]
    pz = pos[:, :, 2]
    cx, cy, cz = _fps_call(px, py, pz)
    centers = jnp.stack([cx, cy, cz], axis=-1)
    nx, ny, nz = _knn_call(px, py, pz, cx, cy, cz)
    neighborhood = jnp.stack([nx, ny, nz], axis=-1)
    return neighborhood, centers

# --- scband reference (transcript-rebuilt; emitter-appended) ---
"""Pipeline reference for scband-grouper-by-num-group-66099546685656 (READ-ONLY COPY).

The authoritative reference and input builder live on the scoring server;
editing this copy changes nothing except your own understanding.
"""

import jax, jax.numpy as jnp
import numpy as np

NUM_GROUP = 512
GROUP_SIZE = 32


def setup_inputs(seed: int = 0) -> dict:
    key = jax.random.key(seed)
    pos = jax.random.normal(key, (8, 8192, 3), dtype=jnp.float32)
    return {"pos": pos}


def _fps(pos, G):
    # Farthest point sampling: deterministic start at index 0 per batch.
    B, Np, _ = pos.shape
    idxs = jnp.zeros((B, G), dtype=jnp.int32)
    dists = jnp.full((B, Np), jnp.inf, dtype=jnp.float32)

    def body(i, carry):
        dists, idxs = carry
        last = idxs[:, i]  # [B]
        last_idx = jnp.broadcast_to(last[:, None, None], (B, 1, 3))
        last_pos = jnp.take_along_axis(pos, last_idx, axis=1)  # [B,1,3]
        d = jnp.sum((pos - last_pos) ** 2, axis=-1)  # [B,Np]
        dists = jnp.minimum(dists, d)
        nxt = jnp.argmax(dists, axis=-1).astype(jnp.int32)
        idxs = idxs.at[:, i + 1].set(nxt)
        return dists, idxs

    dists, idxs = jax.lax.fori_loop(0, G - 1, body, (dists, idxs))
    return idxs


def _knn_idx(centers, pos, k):
    # squared euclidean distances via expansion to avoid [B,G,N,3] blowup
    c2 = jnp.sum(centers ** 2, axis=-1)  # [B,G]
    p2 = jnp.sum(pos ** 2, axis=-1)      # [B,N]
    cp = jnp.einsum('bgd,bnd->bgn', centers, pos)  # [B,G,N]
    d = c2[:, :, None] + p2[:, None, :] - 2.0 * cp
    _, idx = jax.lax.top_k(-d, k)  # [B,G,k] nearest neighbors
    return idx


def reference(pos):
    G, Nk = NUM_GROUP, GROUP_SIZE
    fps_idx = _fps(pos, G)  # [B,G]
    centers = jax.vmap(lambda p, i: p[i])(pos, fps_idx)  # [B,G,3]
    knn = _knn_idx(centers, pos, Nk)  # [B,G,Nk]
    grouped = jax.vmap(lambda p, i: p[i])(pos, knn)  # [B,G,Nk,3]
    neighborhood = grouped - centers[:, :, None, :]  # center-normalized groups
    return neighborhood, centers

if __name__ == "__main__":
    import jax
    _d = setup_inputs()
    print(jax.jit(kernel)(*tuple(_d.values())))

</pallas_src>

<mosaic_0001>
#map = affine_map<(d0, d1) -> (0, 0)>
module attributes {stable_mosaic.version = 14 : i64} {
  func.func @_fps_body(%arg0: i32, %arg1: i32, %arg2: memref<8x8192xf32, #tpu.memory_space<hbm>>, %arg3: memref<8x8192xf32, #tpu.memory_space<hbm>>, %arg4: memref<8x8192xf32, #tpu.memory_space<hbm>>, %arg5: memref<8x512xf32, #tpu.memory_space<hbm>>, %arg6: memref<8x512xf32, #tpu.memory_space<hbm>>, %arg7: memref<8x512xf32, #tpu.memory_space<hbm>>, %arg8: memref<8192xf32, #tpu.memory_space<vmem>>, %arg9: memref<8192xf32, #tpu.memory_space<vmem>>, %arg10: memref<8192xf32, #tpu.memory_space<vmem>>, %arg11: memref<8192xf32, #tpu.memory_space<vmem>>, %arg12: memref<512xf32, #tpu.memory_space<vmem>>, %arg13: memref<512xf32, #tpu.memory_space<vmem>>, %arg14: memref<512xf32, #tpu.memory_space<vmem>>) attributes {dimension_semantics = [#tpu.dimension_semantics<core_parallel>, #tpu.dimension_semantics<subcore_parallel>], iteration_bounds = array<i64: 2, 16>, scalar_prefetch = 0 : i64, scratch_operands = 7 : i64, tpu.core_type = #tpu.core_type<sc_vector_subcore>, window_params = [{transform_indices = #map}, {transform_indices = #map}, {transform_indices = #map}, {transform_indices = #map}, {transform_indices = #map}, {transform_indices = #map}]} {
    %mul3A = arith.constant 16 : i32
    %mul3A_0 = arith.muli %arg0, %mul3A : i32
    %add3A = arith.addi %mul3A_0, %arg1 : i32
    %lt3A = arith.constant 8 : i32
    %lt3A_1 = arith.cmpi slt, %add3A, %lt3A : i32
    %convert_element_type3A = arith.extui %lt3A_1 : i1 to i32
    %cond3A = arith.constant 0 : i32
    %cond3A_2 = arith.cmpi ne, %convert_element_type3A, %cond3A : i32
    scf.if %cond3A_2 {
      "tpu.region"() ({
        %run_scoped3A = tpu.sem_alloc : memref<!tpu.dma_semaphore, #tpu.memory_space<semaphore_mem>>
        %dma_start3A = arith.constant 0 : i32
        %dma_start3A_45 = tpu.memref_slice %arg2[%add3A, %dma_start3A] : memref<8x8192xf32, #tpu.memory_space<hbm>> -> memref<1x8192xf32, #tpu.memory_space<hbm>>
        %dma_start3A_46 = tpu.memref_squeeze %dma_start3A_45 : memref<1x8192xf32, #tpu.memory_space<hbm>> -> memref<8192xf32, #tpu.memory_space<hbm>>
        %dma_start3A_47 = arith.constant 0 : i32
        %dma_start3A_48 = tpu.memref_slice %arg2[%add3A, %dma_start3A_47] : memref<8x8192xf32, #tpu.memory_space<hbm>> -> memref<1x8192xf32, #tpu.memory_space<hbm>>
        %dma_start3A_49 = tpu.memref_squeeze %dma_start3A_48 : memref<1x8192xf32, #tpu.memory_space<hbm>> -> memref<8192xf32, #tpu.memory_space<hbm>>
        tpu.enqueue_dma source(%dma_start3A_49 : memref<8192xf32, #tpu.memory_space<hbm>>) target(%arg8 : memref<8192xf32, #tpu.memory_space<vmem>>) target_semaphore(%run_scoped3A : memref<!tpu.dma_semaphore, #tpu.memory_space<semaphore_mem>>)
        %dma_wait3A = arith.constant 0 : i32
        %dma_wait3A_50 = tpu.memref_slice %arg2[%add3A, %dma_wait3A] : memref<8x8192xf32, #tpu.memory_space<hbm>> -> memref<1x8192xf32, #tpu.memory_space<hbm>>
        %dma_wait3A_51 = tpu.memref_squeeze %dma_wait3A_50 : memref<1x8192xf32, #tpu.memory_space<hbm>> -> memref<8192xf32, #tpu.memory_space<hbm>>
        %dma_wait3A_52 = arith.constant 0 : i32
        %dma_wait3A_53 = tpu.memref_slice %arg2[%add3A, %dma_wait3A_52] : memref<8x8192xf32, #tpu.memory_space<hbm>> -> memref<1x8192xf32, #tpu.memory_space<hbm>>
        %dma_wait3A_54 = tpu.memref_squeeze %dma_wait3A_53 : memref<1x8192xf32, #tpu.memory_space<hbm>> -> memref<8192xf32, #tpu.memory_space<hbm>>
        tpu.wait_dma2 semaphore(%run_scoped3A : memref<!tpu.dma_semaphore, #tpu.memory_space<semaphore_mem>>) src(%dma_wait3A_54 : memref<8192xf32, #tpu.memory_space<hbm>>) dst(%arg8 : memref<8192xf32, #tpu.memory_space<vmem>>)
        tpu.yield
      }) : () -> ()
      "tpu.region"() ({
        %run_scoped3A = tpu.sem_alloc : memref<!tpu.dma_semaphore, #tpu.memory_space<semaphore_mem>>
        %dma_start3A = arith.constant 0 : i32
        %dma_start3A_45 = tpu.memref_slice %arg3[%add3A, %dma_start3A] : memref<8x8192xf32, #tpu.memory_space<hbm>> -> memref<1x8192xf32, #tpu.memory_space<hbm>>
        %dma_start3A_46 = tpu.memref_squeeze %dma_start3A_45 : memref<1x8192xf32, #tpu.memory_space<hbm>> -> memref<8192xf32, #tpu.memory_space<hbm>>
        %dma_start3A_47 = arith.constant 0 : i32
        %dma_start3A_48 = tpu.memref_slice %arg3[%add3A, %dma_start3A_47] : memref<8x8192xf32, #tpu.memory_space<hbm>> -> memref<1x8192xf32, #tpu.memory_space<hbm>>
        %dma_start3A_49 = tpu.memref_squeeze %dma_start3A_48 : memref<1x8192xf32, #tpu.memory_space<hbm>> -> memref<8192xf32, #tpu.memory_space<hbm>>
        tpu.enqueue_dma source(%dma_start3A_49 : memref<8192xf32, #tpu.memory_space<hbm>>) target(%arg9 : memref<8192xf32, #tpu.memory_space<vmem>>) target_semaphore(%run_scoped3A : memref<!tpu.dma_semaphore, #tpu.memory_space<semaphore_mem>>)
        %dma_wait3A = arith.constant 0 : i32
        %dma_wait3A_50 = tpu.memref_slice %arg3[%add3A, %dma_wait3A] : memref<8x8192xf32, #tpu.memory_space<hbm>> -> memref<1x8192xf32, #tpu.memory_space<hbm>>
        %dma_wait3A_51 = tpu.memref_squeeze %dma_wait3A_50 : memref<1x8192xf32, #tpu.memory_space<hbm>> -> memref<8192xf32, #tpu.memory_space<hbm>>
        %dma_wait3A_52 = arith.constant 0 : i32
        %dma_wait3A_53 = tpu.memref_slice %arg3[%add3A, %dma_wait3A_52] : memref<8x8192xf32, #tpu.memory_space<hbm>> -> memref<1x8192xf32, #tpu.memory_space<hbm>>
        %dma_wait3A_54 = tpu.memref_squeeze %dma_wait3A_53 : memref<1x8192xf32, #tpu.memory_space<hbm>> -> memref<8192xf32, #tpu.memory_space<hbm>>
        tpu.wait_dma2 semaphore(%run_scoped3A : memref<!tpu.dma_semaphore, #tpu.memory_space<semaphore_mem>>) src(%dma_wait3A_54 : memref<8192xf32, #tpu.memory_space<hbm>>) dst(%arg9 : memref<8192xf32, #tpu.memory_space<vmem>>)
        tpu.yield
      }) : () -> ()
      "tpu.region"() ({
        %run_scoped3A = tpu.sem_alloc : memref<!tpu.dma_semaphore, #tpu.memory_space<semaphore_mem>>
        %dma_start3A = arith.constant 0 : i32
        %dma_start3A_45 = tpu.memref_slice %arg4[%add3A, %dma_start3A] : memref<8x8192xf32, #tpu.memory_space<hbm>> -> memref<1x8192xf32, #tpu.memory_space<hbm>>
        %dma_start3A_46 = tpu.memref_squeeze %dma_start3A_45 : memref<1x8192xf32, #tpu.memory_space<hbm>> -> memref<8192xf32, #tpu.memory_space<hbm>>
        %dma_start3A_47 = arith.constant 0 : i32
        %dma_start3A_48 = tpu.memref_slice %arg4[%add3A, %dma_start3A_47] : memref<8x8192xf32, #tpu.memory_space<hbm>> -> memref<1x8192xf32, #tpu.memory_space<hbm>>
        %dma_start3A_49 = tpu.memref_squeeze %dma_start3A_48 : memref<1x8192xf32, #tpu.memory_space<hbm>> -> memref<8192xf32, #tpu.memory_space<hbm>>
        tpu.enqueue_dma source(%dma_start3A_49 : memref<8192xf32, #tpu.memory_space<hbm>>) target(%arg10 : memref<8192xf32, #tpu.memory_space<vmem>>) target_semaphore(%run_scoped3A : memref<!tpu.dma_semaphore, #tpu.memory_space<semaphore_mem>>)
        %dma_wait3A = arith.constant 0 : i32
        %dma_wait3A_50 = tpu.memref_slice %arg4[%add3A, %dma_wait3A] : memref<8x8192xf32, #tpu.memory_space<hbm>> -> memref<1x8192xf32, #tpu.memory_space<hbm>>
        %dma_wait3A_51 = tpu.memref_squeeze %dma_wait3A_50 : memref<1x8192xf32, #tpu.memory_space<hbm>> -> memref<8192xf32, #tpu.memory_space<hbm>>
        %dma_wait3A_52 = arith.constant 0 : i32
        %dma_wait3A_53 = tpu.memref_slice %arg4[%add3A, %dma_wait3A_52] : memref<8x8192xf32, #tpu.memory_space<hbm>> -> memref<1x8192xf32, #tpu.memory_space<hbm>>
        %dma_wait3A_54 = tpu.memref_squeeze %dma_wait3A_53 : memref<1x8192xf32, #tpu.memory_space<hbm>> -> memref<8192xf32, #tpu.memory_space<hbm>>
        tpu.wait_dma2 semaphore(%run_scoped3A : memref<!tpu.dma_semaphore, #tpu.memory_space<semaphore_mem>>) src(%dma_wait3A_54 : memref<8192xf32, #tpu.memory_space<hbm>>) dst(%arg10 : memref<8192xf32, #tpu.memory_space<vmem>>)
        tpu.yield
      }) : () -> ()
      %broadcast_in_dim3A = arith.constant 0x7F800000 : f32
      %broadcast_in_dim3A_3 = vector.broadcast %broadcast_in_dim3A : f32 to vector<16xf32>
      %scan3A = arith.constant 0 : i32
      %scan3A_4 = arith.constant 0 : i32
      %scan3A_5 = arith.constant 512 : i32
      %scan3A_6 = arith.addi %scan3A_4, %scan3A_5 : i32
      %scan3A_7 = arith.constant 1 : i32
      scf.for %scan3A_45 = %scan3A_4 to %scan3A_6 step %scan3A_7  : i32 {
        %mul3A_46 = arith.constant 16 : i32
        %mul3A_47 = arith.muli %scan3A_45, %mul3A_46 : i32
        %swap3A_48 = arith.index_cast %mul3A_47 : i32 to index
        %swap3A_49 = tpu.vector_load %arg11[%swap3A_48] {strides = array<i32>} : memref<8192xf32, #tpu.memory_space<vmem>>, vector<16xf32>,
        tpu.vector_store %arg11[%swap3A_48], %broadcast_in_dim3A_3 {strides = array<i32>} : memref<8192xf32, #tpu.memory_space<vmem>>, vector<16xf32>,
      }
      %scan3A_8 = arith.constant 512 : i32
      %iota3A = tpu.iota {dimensions = array<i32: 0>} : vector<16xi32>
      %get3A = arith.constant 0 : index
      %get3A_9 = tpu.vector_load %arg8[%get3A] {strides = array<i32>} : memref<8192xf32, #tpu.memory_space<vmem>>, vector<16xf32>,
      %get3A_10 = arith.constant 0 : index
      %get3A_11 = tpu.vector_load %arg9[%get3A_10] {strides = array<i32>} : memref<8192xf32, #tpu.memory_space<vmem>>, vector<16xf32>,
      %get3A_12 = arith.constant 0 : index
      %get3A_13 = tpu.vector_load %arg10[%get3A_12] {strides = array<i32>} : memref<8192xf32, #tpu.memory_space<vmem>>, vector<16xf32>,
      %slice3A = vector.extract_strided_slice %get3A_9 {offsets = [0], sizes = [1], strides = [1]} : vector<16xf32> to vector<1xf32>
      %squeeze3A = vector.extract %slice3A[0] : f32 from vector<1xf32>
      %slice3A_14 = vector.extract_strided_slice %get3A_11 {offsets = [0], sizes = [1], strides = [1]} : vector<16xf32> to vector<1xf32>
      %squeeze3A_15 = vector.extract %slice3A_14[0] : f32 from vector<1xf32>
      %slice3A_16 = vector.extract_strided_slice %get3A_13 {offsets = [0], sizes = [1], strides = [1]} : vector<16xf32> to vector<1xf32>
      %squeeze3A_17 = vector.extract %slice3A_16[0] : f32 from vector<1xf32>
      %get3A_18 = arith.constant 0 : index
      %get3A_19 = tpu.vector_load %arg12[%get3A_18] {strides = array<i32>} : memref<512xf32, #tpu.memory_space<vmem>>, vector<16xf32>,
      %eq3A = arith.constant 0 : i32
      %eq3A_20 = vector.broadcast %eq3A : i32 to vector<16xi32>
      %eq3A_21 = arith.cmpi eq, %iota3A, %eq3A_20 : vector<16xi32>
      %select_n3A = arith.select %eq3A_21, %get3A_9, %get3A_19 : vector<16xi1>, vector<16xf32>
      %swap3A = arith.constant 0 : index
      %swap3A_22 = tpu.vector_load %arg12[%swap3A] {strides = array<i32>} : memref<512xf32, #tpu.memory_space<vmem>>, vector<16xf32>,
      tpu.vector_store %arg12[%swap3A], %select_n3A {strides = array<i32>} : memref<512xf32, #tpu.memory_space<vmem>>, vector<16xf32>,
      %get3A_23 = arith.constant 0 : index
      %get3A_24 = tpu.vector_load %arg13[%get3A_23] {strides = array<i32>} : memref<512xf32, #tpu.memory_space<vmem>>, vector<16xf32>,
      %eq3A_25 = arith.constant 0 : i32
      %eq3A_26 = vector.broadcast %eq3A_25 : i32 to vector<16xi32>
      %eq3A_27 = arith.cmpi eq, %iota3A, %eq3A_26 : vector<16xi32>
      %select_n3A_28 = arith.select %eq3A_27, %get3A_11, %get3A_24 : vector<16xi1>, vector<16xf32>
      %swap3A_29 = arith.constant 0 : index
      %swap3A_30 = tpu.vector_load %arg13[%swap3A_29] {strides = array<i32>} : memref<512xf32, #tpu.memory_space<vmem>>, vector<16xf32>,
      tpu.vector_store %arg13[%swap3A_29], %select_n3A_28 {strides = array<i32>} : memref<512xf32, #tpu.memory_space<vmem>>, vector<16xf32>,
      %get3A_31 = arith.constant 0 : index
      %get3A_32 = tpu.vector_load %arg14[%get3A_31] {strides = array<i32>} : memref<512xf32, #tpu.memory_space<vmem>>, vector<16xf32>,
      %eq3A_33 = arith.constant 0 : i32
      %eq3A_34 = vector.broadcast %eq3A_33 : i32 to vector<16xi32>
      %eq3A_35 = arith.cmpi eq, %iota3A, %eq3A_34 : vector<16xi32>
      %select_n3A_36 = arith.select %eq3A_35, %get3A_13, %get3A_32 : vector<16xi1>, vector<16xf32>
      %swap3A_37 = arith.constant 0 : index
      %swap3A_38 = tpu.vector_load %arg14[%swap3A_37] {strides = array<i32>} : memref<512xf32, #tpu.memory_space<vmem>>, vector<16xf32>,
      tpu.vector_store %arg14[%swap3A_37], %select_n3A_36 {strides = array<i32>} : memref<512xf32, #tpu.memory_space<vmem>>, vector<16xf32>,
      %scan3A_39 = arith.constant 0 : i32
      %scan3A_40 = arith.constant 511 : i32
      %scan3A_41 = arith.addi %scan3A_39, %scan3A_40 : i32
      %scan3A_42 = arith.constant 1 : i32
      %scan3A_43:3 = scf.for %scan3A_45 = %scan3A_39 to %scan3A_41 step %scan3A_42 iter_args(%scan3A_46 = %squeeze3A, %scan3A_47 = %squeeze3A_15, %scan3A_48 = %squeeze3A_17) -> (f32, f32, f32)  : i32 {
        %broadcast_in_dim3A_49 = arith.constant 0xFF800000 : f32
        %broadcast_in_dim3A_50 = vector.broadcast %broadcast_in_dim3A_49 : f32 to vector<16xf32>
        %broadcast_in_dim3A_51 = arith.constant 0 : i32
        %broadcast_in_dim3A_52 = vector.broadcast %broadcast_in_dim3A_51 : i32 to vector<16xi32>
        %scan3A_53 = arith.constant 0 : i32
        %scan3A_54 = arith.constant 512 : i32
        %scan3A_55 = arith.addi %scan3A_53, %scan3A_54 : i32
        %scan3A_56 = arith.constant 4 : i32
        %scan3A_57:2 = scf.for %scan3A_128 = %scan3A_53 to %scan3A_55 step %scan3A_56 iter_args(%scan3A_129 = %broadcast_in_dim3A_50, %scan3A_130 = %broadcast_in_dim3A_52) -> (vector<16xf32>, vector<16xi32>)  : i32 {
          %mul3A_131 = arith.constant 16 : i32
          %mul3A_132 = arith.muli %scan3A_128, %mul3A_131 : i32
          %get3A_133 = arith.index_cast %mul3A_132 : i32 to index
          %get3A_134 = tpu.vector_load %arg8[%get3A_133] {strides = array<i32>} : memref<8192xf32, #tpu.memory_space<vmem>>, vector<16xf32>,
          %get3A_135 = arith.index_cast %mul3A_132 : i32 to index
          %get3A_136 = tpu.vector_load %arg9[%get3A_135] {strides = array<i32>} : memref<8192xf32, #tpu.memory_space<vmem>>, vector<16xf32>,
          %get3A_137 = arith.index_cast %mul3A_132 : i32 to index
          %get3A_138 = tpu.vector_load %arg10[%get3A_137] {strides = array<i32>} : memref<8192xf32, #tpu.memory_space<vmem>>, vector<16xf32>,
          %sub3A = vector.broadcast %scan3A_46 : f32 to vector<16xf32>
          %sub3A_139 = arith.subf %get3A_134, %sub3A : vector<16xf32>
          %sub3A_140 = vector.broadcast %scan3A_47 : f32 to vector<16xf32>
          %sub3A_141 = arith.subf %get3A_136, %sub3A_140 : vector<16xf32>
          %sub3A_142 = vector.broadcast %scan3A_48 : f32 to vector<16xf32>
          %sub3A_143 = arith.subf %get3A_138, %sub3A_142 : vector<16xf32>
          %mul3A_144 = arith.mulf %sub3A_139, %sub3A_139 : vector<16xf32>
          %mul3A_145 = arith.mulf %sub3A_141, %sub3A_141 : vector<16xf32>
          %add3A_146 = arith.addf %mul3A_144, %mul3A_145 : vector<16xf32>
          %mul3A_147 = arith.mulf %sub3A_143, %sub3A_143 : vector<16xf32>
          %add3A_148 = arith.addf %add3A_146, %mul3A_147 : vector<16xf32>
          %get3A_149 = arith.index_cast %mul3A_132 : i32 to index
          %get3A_150 = tpu.vector_load %arg11[%get3A_149] {strides = array<i32>} : memref<8192xf32, #tpu.memory_space<vmem>>, vector<16xf32>,
          %min3A = arith.minimumf %get3A_150, %add3A_148 : vector<16xf32>
          %swap3A_151 = arith.index_cast %mul3A_132 : i32 to index
          %swap3A_152 = tpu.vector_load %arg11[%swap3A_151] {strides = array<i32>} : memref<8192xf32, #tpu.memory_space<vmem>>, vector<16xf32>,
          tpu.vector_store %arg11[%swap3A_151], %min3A {strides = array<i32>} : memref<8192xf32, #tpu.memory_space<vmem>>, vector<16xf32>,
          %gt3A = arith.cmpf ogt, %min3A, %scan3A_129 : vector<16xf32>
          %select_n3A_153 = arith.select %gt3A, %min3A, %scan3A_129 : vector<16xi1>, vector<16xf32>
          %broadcast_in_dim3A_154 = vector.broadcast %scan3A_128 : i32 to vector<16xi32>
          %select_n3A_155 = arith.select %gt3A, %broadcast_in_dim3A_154, %scan3A_130 : vector<16xi1>, vector<16xi32>
          %scan3A_156 = arith.constant 1 : i32
          %scan3A_157 = arith.addi %scan3A_128, %scan3A_156 : i32
          %mul3A_158 = arith.constant 16 : i32
          %mul3A_159 = arith.muli %scan3A_157, %mul3A_158 : i32
          %get3A_160 = arith.index_cast %mul3A_159 : i32 to index
          %get3A_161 = tpu.vector_load %arg8[%get3A_160] {strides = array<i32>} : memref<8192xf32, #tpu.memory_space<vmem>>, vector<16xf32>,
          %get3A_162 = arith.index_cast %mul3A_159 : i32 to index
          %get3A_163 = tpu.vector_load %arg9[%get3A_162] {strides = array<i32>} : memref<8192xf32, #tpu.memory_space<vmem>>, vector<16xf32>,
          %get3A_164 = arith.index_cast %mul3A_159 : i32 to index
          %get3A_165 = tpu.vector_load %arg10[%get3A_164] {strides = array<i32>} : memref<8192xf32, #tpu.memory_space<vmem>>, vector<16xf32>,
          %sub3A_166 = vector.broadcast %scan3A_46 : f32 to vector<16xf32>
          %sub3A_167 = arith.subf %get3A_161, %sub3A_166 : vector<16xf32>
          %sub3A_168 = vector.broadcast %scan3A_47 : f32 to vector<16xf32>
          %sub3A_169 = arith.subf %get3A_163, %sub3A_168 : vector<16xf32>
          %sub3A_170 = vector.broadcast %scan3A_48 : f32 to vector<16xf32>
          %sub3A_171 = arith.subf %get3A_165, %sub3A_170 : vector<16xf32>
          %mul3A_172 = arith.mulf %sub3A_167, %sub3A_167 : vector<16xf32>
          %mul3A_173 = arith.mulf %sub3A_169, %sub3A_169 : vector<16xf32>
          %add3A_174 = arith.addf %mul3A_172, %mul3A_173 : vector<16xf32>
          %mul3A_175 = arith.mulf %sub3A_171, %sub3A_171 : vector<16xf32>
          %add3A_176 = arith.addf %add3A_174, %mul3A_175 : vector<16xf32>
          %get3A_177 = arith.index_cast %mul3A_159 : i32 to index
          %get3A_178 = tpu.vector_load %arg11[%get3A_177] {strides = array<i32>} : memref<8192xf32, #tpu.memory_space<vmem>>, vector<16xf32>,
          %min3A_179 = arith.minimumf %get3A_178, %add3A_176 : vector<16xf32>
          %swap3A_180 = arith.index_cast %mul3A_159 : i32 to index
          %swap3A_181 = tpu.vector_load %arg11[%swap3A_180] {strides = array<i32>} : memref<8192xf32, #tpu.memory_space<vmem>>, vector<16xf32>,
          tpu.vector_store %arg11[%swap3A_180], %min3A_179 {strides = array<i32>} : memref<8192xf32, #tpu.memory_space<vmem>>, vector<16xf32>,
          %gt3A_182 = arith.cmpf ogt, %min3A_179, %select_n3A_153 : vector<16xf32>
          %select_n3A_183 = arith.select %gt3A_182, %min3A_179, %select_n3A_153 : vector<16xi1>, vector<16xf32>
          %broadcast_in_dim3A_184 = vector.broadcast %scan3A_157 : i32 to vector<16xi32>
          %select_n3A_185 = arith.select %gt3A_182, %broadcast_in_dim3A_184, %select_n3A_155 : vector<16xi1>, vector<16xi32>
          %scan3A_186 = arith.constant 2 : i32
          %scan3A_187 = arith.addi %scan3A_128, %scan3A_186 : i32
          %mul3A_188 = arith.constant 16 : i32
          %mul3A_189 = arith.muli %scan3A_187, %mul3A_188 : i32
          %get3A_190 = arith.index_cast %mul3A_189 : i32 to index
          %get3A_191 = tpu.vector_load %arg8[%get3A_190] {strides = array<i32>} : memref<8192xf32, #tpu.memory_space<vmem>>, vector<16xf32>,
          %get3A_192 = arith.index_cast %mul3A_189 : i32 to index
          %get3A_193 = tpu.vector_load %arg9[%get3A_192] {strides = array<i32>} : memref<8192xf32, #tpu.memory_space<vmem>>, vector<16xf32>,
          %get3A_194 = arith.index_cast %mul3A_189 : i32 to index
          %get3A_195 = tpu.vector_load %arg10[%get3A_194] {strides = array<i32>} : memref<8192xf32, #tpu.memory_space<vmem>>, vector<16xf32>,
          %sub3A_196 = vector.broadcast %scan3A_46 : f32 to vector<16xf32>
          %sub3A_197 = arith.subf %get3A_191, %sub3A_196 : vector<16xf32>
          %sub3A_198 = vector.broadcast %scan3A_47 : f32 to vector<16xf32>
          %sub3A_199 = arith.subf %get3A_193, %sub3A_198 : vector<16xf32>
          %sub3A_200 = vector.broadcast %scan3A_48 : f32 to vector<16xf32>
          %sub3A_201 = arith.subf %get3A_195, %sub3A_200 : vector<16xf32>
          %mul3A_202 = arith.mulf %sub3A_197, %sub3A_197 : vector<16xf32>
          %mul3A_203 = arith.mulf %sub3A_199, %sub3A_199 : vector<16xf32>
          %add3A_204 = arith.addf %mul3A_202, %mul3A_203 : vector<16xf32>
          %mul3A_205 = arith.mulf %sub3A_201, %sub3A_201 : vector<16xf32>
          %add3A_206 = arith.addf %add3A_204, %mul3A_205 : vector<16xf32>
          %get3A_207 = arith.index_cast %mul3A_189 : i32 to index
          %get3A_208 = tpu.vector_load %arg11[%get3A_207] {strides = array<i32>} : memref<8192xf32, #tpu.memory_space<vmem>>, vector<16xf32>,
          %min3A_209 = arith.minimumf %get3A_208, %add3A_206 : vector<16xf32>
          %swap3A_210 = arith.index_cast %mul3A_189 : i32 to index
          %swap3A_211 = tpu.vector_load %arg11[%swap3A_210] {strides = array<i32>} : memref<8192xf32, #tpu.memory_space<vmem>>, vector<16xf32>,
          tpu.vector_store %arg11[%swap3A_210], %min3A_209 {strides = array<i32>} : memref<8192xf32, #tpu.memory_space<vmem>>, vector<16xf32>,
          %gt3A_212 = arith.cmpf ogt, %min3A_209, %select_n3A_183 : vector<16xf32>
          %select_n3A_213 = arith.select %gt3A_212, %min3A_209, %select_n3A_183 : vector<16xi1>, vector<16xf32>
          %broadcast_in_dim3A_214 = vector.broadcast %scan3A_187 : i32 to vector<16xi32>
          %select_n3A_215 = arith.select %gt3A_212, %broadcast_in_dim3A_214, %select_n3A_185 : vector<16xi1>, vector<16xi32>
          %scan3A_216 = arith.constant 3 : i32
          %scan3A_217 = arith.addi %scan3A_128, %scan3A_216 : i32
          %mul3A_218 = arith.constant 16 : i32
          %mul3A_219 = arith.muli %scan3A_217, %mul3A_218 : i32
          %get3A_220 = arith.index_cast %mul3A_219 : i32 to index
          %get3A_221 = tpu.vector_load %arg8[%get3A_220] {strides = array<i32>} : memref<8192xf32, #tpu.memory_space<vmem>>, vector<16xf32>,
          %get3A_222 = arith.index_cast %mul3A_219 : i32 to index
          %get3A_223 = tpu.vector_load %arg9[%get3A_222] {strides = array<i32>} : memref<8192xf32, #tpu.memory_space<vmem>>, vector<16xf32>,
          %get3A_224 = arith.index_cast %mul3A_219 : i32 to index
          %get3A_225 = tpu.vector_load %arg10[%get3A_224] {strides = array<i32>} : memref<8192xf32, #tpu.memory_space<vmem>>, vector<16xf32>,
          %sub3A_226 = vector.broadcast %scan3A_46 : f32 to vector<16xf32>
          %sub3A_227 = arith.subf %get3A_221, %sub3A_226 : vector<16xf32>
          %sub3A_228 = vector.broadcast %scan3A_47 : f32 to vector<16xf32>
          %sub3A_229 = arith.subf %get3A_223, %sub3A_228 : vector<16xf32>
          %sub3A_230 = vector.broadcast %scan3A_48 : f32 to vector<16xf32>
          %sub3A_231 = arith.subf %get3A_225, %sub3A_230 : vector<16xf32>
          %mul3A_232 = arith.mulf %sub3A_227, %sub3A_227 : vector<16xf32>
          %mul3A_233 = arith.mulf %sub3A_229, %sub3A_229 : vector<16xf32>
          %add3A_234 = arith.addf %mul3A_232, %mul3A_233 : vector<16xf32>
          %mul3A_235 = arith.mulf %sub3A_231, %sub3A_231 : vector<16xf32>
          %add3A_236 = arith.addf %add3A_234, %mul3A_235 : vector<16xf32>
          %get3A_237 = arith.index_cast %mul3A_219 : i32 to index
          %get3A_238 = tpu.vector_load %arg11[%get3A_237] {strides = array<i32>} : memref<8192xf32, #tpu.memory_space<vmem>>, vector<16xf32>,
          %min3A_239 = arith.minimumf %get3A_238, %add3A_236 : vector<16xf32>
          %swap3A_240 = arith.index_cast %mul3A_219 : i32 to index
          %swap3A_241 = tpu.vector_load %arg11[%swap3A_240] {strides = array<i32>} : memref<8192xf32, #tpu.memory_space<vmem>>, vector<16xf32>,
          tpu.vector_store %arg11[%swap3A_240], %min3A_239 {strides = array<i32>} : memref<8192xf32, #tpu.memory_space<vmem>>, vector<16xf32>,
          %gt3A_242 = arith.cmpf ogt, %min3A_239, %select_n3A_213 : vector<16xf32>
          %select_n3A_243 = arith.select %gt3A_242, %min3A_239, %select_n3A_213 : vector<16xi1>, vector<16xf32>
          %broadcast_in_dim3A_244 = vector.broadcast %scan3A_217 : i32 to vector<16xi32>
          %select_n3A_245 = arith.select %gt3A_242, %broadcast_in_dim3A_244, %select_n3A_215 : vector<16xi1>, vector<16xi32>
          scf.yield %select_n3A_243, %select_n3A_245 : vector<16xf32>, vector<16xi32>
        }
        %scan3A_58 = arith.constant 512 : i32
        %reduce_max3A = arith.constant true
        %reduce_max3A_59 = vector.broadcast %reduce_max3A : i1 to vector<16xi1>
        %reduce_max3A_60 = tpu.scan <max>, %scan3A_57#0 masked %reduce_max3A_59 : vector<16xf32>, vector<16xi1> -> vector<16xf32>
        %reduce_max3A_61 = vector.extract %reduce_max3A_60[15] : f32 from vector<16xf32>
        %mul3A_62 = arith.constant 16 : i32
        %mul3A_63 = vector.broadcast %mul3A_62 : i32 to vector<16xi32>
        %mul3A_64 = arith.muli %scan3A_57#1, %mul3A_63 : vector<16xi32>
        %add3A_65 = arith.addi %mul3A_64, %iota3A : vector<16xi32>
        %eq3A_66 = vector.broadcast %reduce_max3A_61 : f32 to vector<16xf32>
        %eq3A_67 = arith.cmpf oeq, %scan3A_57#0, %eq3A_66 : vector<16xf32>
        %jit3A = arith.constant 2147483647 : i32
        %broadcast_in_dim3A_68 = vector.broadcast %jit3A : i32 to vector<16xi32>
        %select_n3A_69 = arith.select %eq3A_67, %add3A_65, %broadcast_in_dim3A_68 : vector<16xi1>, vector<16xi32>
        %reduce_min3A = arith.constant true
        %reduce_min3A_70 = vector.broadcast %reduce_min3A : i1 to vector<16xi1>
        %reduce_min3A_71 = arith.constant -2147483648 : i32
        %reduce_min3A_72 = vector.broadcast %reduce_min3A_71 : i32 to vector<16xi32>
        %reduce_min3A_73 = arith.xori %select_n3A_69, %reduce_min3A_72 : vector<16xi32>
        %reduce_min3A_74 = tpu.scan <min>, %reduce_min3A_73 masked %reduce_min3A_70 : vector<16xi32>, vector<16xi1> -> vector<16xi32>
        %reduce_min3A_75 = arith.xori %reduce_min3A_74, %reduce_min3A_72 : vector<16xi32>
        %reduce_min3A_76 = vector.extract %reduce_min3A_75[15] : i32 from vector<16xi32>
        %broadcast_in_dim3A_77 = vector.broadcast %reduce_min3A_76 : i32 to vector<16xi32>
        %gather3A = tpu.vector_load_idx %arg8[%broadcast_in_dim3A_77] : memref<8192xf32, #tpu.memory_space<vmem>>[vector<16xi32>], vector<16xf32>,
        %gather3A_78 = tpu.vector_load_idx %arg9[%broadcast_in_dim3A_77] : memref<8192xf32, #tpu.memory_space<vmem>>[vector<16xi32>], vector<16xf32>,
        %gather3A_79 = tpu.vector_load_idx %arg10[%broadcast_in_dim3A_77] : memref<8192xf32, #tpu.memory_space<vmem>>[vector<16xi32>], vector<16xf32>,
        %slice3A_80 = vector.extract_strided_slice %gather3A {offsets = [0], sizes = [1], strides = [1]} : vector<16xf32> to vector<1xf32>
        %squeeze3A_81 = vector.extract %slice3A_80[0] : f32 from vector<1xf32>
        %slice3A_82 = vector.extract_strided_slice %gather3A_78 {offsets = [0], sizes = [1], strides = [1]} : vector<16xf32> to vector<1xf32>
        %squeeze3A_83 = vector.extract %slice3A_82[0] : f32 from vector<1xf32>
        %slice3A_84 = vector.extract_strided_slice %gather3A_79 {offsets = [0], sizes = [1], strides = [1]} : vector<16xf32> to vector<1xf32>
        %squeeze3A_85 = vector.extract %slice3A_84[0] : f32 from vector<1xf32>
        %add3A_86 = arith.constant 1 : i32
        %add3A_87 = arith.addi %scan3A_45, %add3A_86 : i32
        %shift_right_arithmetic3A = arith.constant 4 : i32
        %shift_right_arithmetic3A_88 = arith.shrsi %add3A_87, %shift_right_arithmetic3A : i32
        %shift_left3A = arith.constant 4 : i32
        %shift_left3A_89 = arith.shli %shift_right_arithmetic3A_88, %shift_left3A : i32
        %and3A = arith.constant 15 : i32
        %and3A_90 = arith.andi %add3A_87, %and3A : i32
        %get3A_91 = arith.index_cast %shift_left3A_89 : i32 to index
        %get3A_92 = tpu.vector_load %arg12[%get3A_91] {strides = array<i32>} : memref<512xf32, #tpu.memory_space<vmem>>, vector<16xf32>,
        %eq3A_93 = vector.broadcast %and3A_90 : i32 to vector<16xi32>
        %eq3A_94 = arith.cmpi eq, %iota3A, %eq3A_93 : vector<16xi32>
        %select_n3A_95 = arith.select %eq3A_94, %gather3A, %get3A_92 : vector<16xi1>, vector<16xf32>
        %swap3A_96 = arith.index_cast %shift_left3A_89 : i32 to index
        %swap3A_97 = tpu.vector_load %arg12[%swap3A_96] {strides = array<i32>} : memref<512xf32, #tpu.memory_space<vmem>>, vector<16xf32>,
        tpu.vector_store %arg12[%swap3A_96], %select_n3A_95 {strides = array<i32>} : memref<512xf32, #tpu.memory_space<vmem>>, vector<16xf32>,
        %add3A_98 = arith.constant 1 : i32
        %add3A_99 = arith.addi %scan3A_45, %add3A_98 : i32
        %shift_right_arithmetic3A_100 = arith.constant 4 : i32
        %shift_right_arithmetic3A_101 = arith.shrsi %add3A_99, %shift_right_arithmetic3A_100 : i32
        %shift_left3A_102 = arith.constant 4 : i32
        %shift_left3A_103 = arith.shli %shift_right_arithmetic3A_101, %shift_left3A_102 : i32
        %and3A_104 = arith.constant 15 : i32
        %and3A_105 = arith.andi %add3A_99, %and3A_104 : i32
        %get3A_106 = arith.index_cast %shift_left3A_103 : i32 to index
        %get3A_107 = tpu.vector_load %arg13[%get3A_106] {strides = array<i32>} : memref<512xf32, #tpu.memory_space<vmem>>, vector<16xf32>,
        %eq3A_108 = vector.broadcast %and3A_105 : i32 to vector<16xi32>
        %eq3A_109 = arith.cmpi eq, %iota3A, %eq3A_108 : vector<16xi32>
        %select_n3A_110 = arith.select %eq3A_109, %gather3A_78, %get3A_107 : vector<16xi1>, vector<16xf32>
        %swap3A_111 = arith.index_cast %shift_left3A_103 : i32 to index
        %swap3A_112 = tpu.vector_load %arg13[%swap3A_111] {strides = array<i32>} : memref<512xf32, #tpu.memory_space<vmem>>, vector<16xf32>,
        tpu.vector_store %arg13[%swap3A_111], %select_n3A_110 {strides = array<i32>} : memref<512xf32, #tpu.memory_space<vmem>>, vector<16xf32>,
        %add3A_113 = arith.constant 1 : i32
        %add3A_114 = arith.addi %scan3A_45, %add3A_113 : i32
        %shift_right_arithmetic3A_115 = arith.constant 4 : i32
        %shift_right_arithmetic3A_116 = arith.shrsi %add3A_114, %shift_right_arithmetic3A_115 : i32
        %shift_left3A_117 = arith.constant 4 : i32
        %shift_left3A_118 = arith.shli %shift_right_arithmetic3A_116, %shift_left3A_117 : i32
        %and3A_119 = arith.constant 15 : i32
        %and3A_120 = arith.andi %add3A_114, %and3A_119 : i32
        %get3A_121 = arith.index_cast %shift_left3A_118 : i32 to index
        %get3A_122 = tpu.vector_load %arg14[%get3A_121] {strides = array<i32>} : memref<512xf32, #tpu.memory_space<vmem>>, vector<16xf32>,
        %eq3A_123 = vector.broadcast %and3A_120 : i32 to vector<16xi32>
        %eq3A_124 = arith.cmpi eq, %iota3A, %eq3A_123 : vector<16xi32>
        %select_n3A_125 = arith.select %eq3A_124, %gather3A_79, %get3A_122 : vector<16xi1>, vector<16xf32>
        %swap3A_126 = arith.index_cast %shift_left3A_118 : i32 to index
        %swap3A_127 = tpu.vector_load %arg14[%swap3A_126] {strides = array<i32>} : memref<512xf32, #tpu.memory_space<vmem>>, vector<16xf32>,
        tpu.vector_store %arg14[%swap3A_126], %select_n3A_125 {strides = array<i32>} : memref<512xf32, #tpu.memory_space<vmem>>, vector<16xf32>,
        scf.yield %squeeze3A_81, %squeeze3A_83, %squeeze3A_85 : f32, f32, f32
      }
      %scan3A_44 = arith.constant 511 : i32
      "tpu.region"() ({
        %run_scoped3A = tpu.sem_alloc : memref<!tpu.dma_semaphore, #tpu.memory_space<semaphore_mem>>
        %dma_start3A = arith.constant 0 : i32
        %dma_start3A_45 = tpu.memref_slice %arg5[%add3A, %dma_start3A] : memref<8x512xf32, #tpu.memory_space<hbm>> -> memref<1x512xf32, #tpu.memory_space<hbm>>
        %dma_start3A_46 = tpu.memref_squeeze %dma_start3A_45 : memref<1x512xf32, #tpu.memory_space<hbm>> -> memref<512xf32, #tpu.memory_space<hbm>>
        %dma_start3A_47 = arith.constant 0 : i32
        %dma_start3A_48 = tpu.memref_slice %arg5[%add3A, %dma_start3A_47] : memref<8x512xf32, #tpu.memory_space<hbm>> -> memref<1x512xf32, #tpu.memory_space<hbm>>
        %dma_start3A_49 = tpu.memref_squeeze %dma_start3A_48 : memref<1x512xf32, #tpu.memory_space<hbm>> -> memref<512xf32, #tpu.memory_space<hbm>>
        tpu.enqueue_dma source(%arg12 : memref<512xf32, #tpu.memory_space<vmem>>) target(%dma_start3A_49 : memref<512xf32, #tpu.memory_space<hbm>>) target_semaphore(%run_scoped3A : memref<!tpu.dma_semaphore, #tpu.memory_space<semaphore_mem>>)
        %dma_wait3A = arith.constant 0 : i32
        %dma_wait3A_50 = tpu.memref_slice %arg5[%add3A, %dma_wait3A] : memref<8x512xf32, #tpu.memory_space<hbm>> -> memref<1x512xf32, #tpu.memory_space<hbm>>
        %dma_wait3A_51 = tpu.memref_squeeze %dma_wait3A_50 : memref<1x512xf32, #tpu.memory_space<hbm>> -> memref<512xf32, #tpu.memory_space<hbm>>
        %dma_wait3A_52 = arith.constant 0 : i32
        %dma_wait3A_53 = tpu.memref_slice %arg5[%add3A, %dma_wait3A_52] : memref<8x512xf32, #tpu.memory_space<hbm>> -> memref<1x512xf32, #tpu.memory_space<hbm>>
        %dma_wait3A_54 = tpu.memref_squeeze %dma_wait3A_53 : memref<1x512xf32, #tpu.memory_space<hbm>> -> memref<512xf32, #tpu.memory_space<hbm>>
        tpu.wait_dma2 semaphore(%run_scoped3A : memref<!tpu.dma_semaphore, #tpu.memory_space<semaphore_mem>>) src(%arg12 : memref<512xf32, #tpu.memory_space<vmem>>) dst(%dma_wait3A_54 : memref<512xf32, #tpu.memory_space<hbm>>)
        tpu.yield
      }) : () -> ()
      "tpu.region"() ({
        %run_scoped3A = tpu.sem_alloc : memref<!tpu.dma_semaphore, #tpu.memory_space<semaphore_mem>>
        %dma_start3A = arith.constant 0 : i32
        %dma_start3A_45 = tpu.memref_slice %arg6[%add3A, %dma_start3A] : memref<8x512xf32, #tpu.memory_space<hbm>> -> memref<1x512xf32, #tpu.memory_space<hbm>>
        %dma_start3A_46 = tpu.memref_squeeze %dma_start3A_45 : memref<1x512xf32, #tpu.memory_space<hbm>> -> memref<512xf32, #tpu.memory_space<hbm>>
        %dma_start3A_47 = arith.constant 0 : i32
        %dma_start3A_48 = tpu.memref_slice %arg6[%add3A, %dma_start3A_47] : memref<8x512xf32, #tpu.memory_space<hbm>> -> memref<1x512xf32, #tpu.memory_space<hbm>>
        %dma_start3A_49 = tpu.memref_squeeze %dma_start3A_48 : memref<1x512xf32, #tpu.memory_space<hbm>> -> memref<512xf32, #tpu.memory_space<hbm>>
        tpu.enqueue_dma source(%arg13 : memref<512xf32, #tpu.memory_space<vmem>>) target(%dma_start3A_49 : memref<512xf32, #tpu.memory_space<hbm>>) target_semaphore(%run_scoped3A : memref<!tpu.dma_semaphore, #tpu.memory_space<semaphore_mem>>)
        %dma_wait3A = arith.constant 0 : i32
        %dma_wait3A_50 = tpu.memref_slice %arg6[%add3A, %dma_wait3A] : memref<8x512xf32, #tpu.memory_space<hbm>> -> memref<1x512xf32, #tpu.memory_space<hbm>>
        %dma_wait3A_51 = tpu.memref_squeeze %dma_wait3A_50 : memref<1x512xf32, #tpu.memory_space<hbm>> -> memref<512xf32, #tpu.memory_space<hbm>>
        %dma_wait3A_52 = arith.constant 0 : i32
        %dma_wait3A_53 = tpu.memref_slice %arg6[%add3A, %dma_wait3A_52] : memref<8x512xf32, #tpu.memory_space<hbm>> -> memref<1x512xf32, #tpu.memory_space<hbm>>
        %dma_wait3A_54 = tpu.memref_squeeze %dma_wait3A_53 : memref<1x512xf32, #tpu.memory_space<hbm>> -> memref<512xf32, #tpu.memory_space<hbm>>
        tpu.wait_dma2 semaphore(%run_scoped3A : memref<!tpu.dma_semaphore, #tpu.memory_space<semaphore_mem>>) src(%arg13 : memref<512xf32, #tpu.memory_space<vmem>>) dst(%dma_wait3A_54 : memref<512xf32, #tpu.memory_space<hbm>>)
        tpu.yield
      }) : () -> ()
      "tpu.region"() ({
        %run_scoped3A = tpu.sem_alloc : memref<!tpu.dma_semaphore, #tpu.memory_space<semaphore_mem>>
        %dma_start3A = arith.constant 0 : i32
        %dma_start3A_45 = tpu.memref_slice %arg7[%add3A, %dma_start3A] : memref<8x512xf32, #tpu.memory_space<hbm>> -> memref<1x512xf32, #tpu.memory_space<hbm>>
        %dma_start3A_46 = tpu.memref_squeeze %dma_start3A_45 : memref<1x512xf32, #tpu.memory_space<hbm>> -> memref<512xf32, #tpu.memory_space<hbm>>
        %dma_start3A_47 = arith.constant 0 : i32
        %dma_start3A_48 = tpu.memref_slice %arg7[%add3A, %dma_start3A_47] : memref<8x512xf32, #tpu.memory_space<hbm>> -> memref<1x512xf32, #tpu.memory_space<hbm>>
        %dma_start3A_49 = tpu.memref_squeeze %dma_start3A_48 : memref<1x512xf32, #tpu.memory_space<hbm>> -> memref<512xf32, #tpu.memory_space<hbm>>
        tpu.enqueue_dma source(%arg14 : memref<512xf32, #tpu.memory_space<vmem>>) target(%dma_start3A_49 : memref<512xf32, #tpu.memory_space<hbm>>) target_semaphore(%run_scoped3A : memref<!tpu.dma_semaphore, #tpu.memory_space<semaphore_mem>>)
        %dma_wait3A = arith.constant 0 : i32
        %dma_wait3A_50 = tpu.memref_slice %arg7[%add3A, %dma_wait3A] : memref<8x512xf32, #tpu.memory_space<hbm>> -> memref<1x512xf32, #tpu.memory_space<hbm>>
        %dma_wait3A_51 = tpu.memref_squeeze %dma_wait3A_50 : memref<1x512xf32, #tpu.memory_space<hbm>> -> memref<512xf32, #tpu.memory_space<hbm>>
        %dma_wait3A_52 = arith.constant 0 : i32
        %dma_wait3A_53 = tpu.memref_slice %arg7[%add3A, %dma_wait3A_52] : memref<8x512xf32, #tpu.memory_space<hbm>> -> memref<1x512xf32, #tpu.memory_space<hbm>>
        %dma_wait3A_54 = tpu.memref_squeeze %dma_wait3A_53 : memref<1x512xf32, #tpu.memory_space<hbm>> -> memref<512xf32, #tpu.memory_space<hbm>>
        tpu.wait_dma2 semaphore(%run_scoped3A : memref<!tpu.dma_semaphore, #tpu.memory_space<semaphore_mem>>) src(%arg14 : memref<512xf32, #tpu.memory_space<vmem>>) dst(%dma_wait3A_54 : memref<512xf32, #tpu.memory_space<hbm>>)
        tpu.yield
      }) : () -> ()
    } else {
    }
    return
  }
}

#map = affine_map<(d0, d1) -> (0, 0)>
#map1 = affine_map<(d0, d1) -> (0, 0, 0)>
module attributes {stable_mosaic.version = 14 : i64} {
  func.func @_knn_body(%arg0: i32, %arg1: i32, %arg2: memref<8x8192xf32, #tpu.memory_space<hbm>>, %arg3: memref<8x8192xf32, #tpu.memory_space<hbm>>, %arg4: memref<8x8192xf32, #tpu.memory_space<hbm>>, %arg5: memref<8x512xf32, #tpu.memory_space<hbm>>, %arg6: memref<8x512xf32, #tpu.memory_space<hbm>>, %arg7: memref<8x512xf32, #tpu.memory_space<hbm>>, %arg8: memref<8x512x32xf32, #tpu.memory_space<hbm>>, %arg9: memref<8x512x32xf32, #tpu.memory_space<hbm>>, %arg10: memref<8x512x32xf32, #tpu.memory_space<hbm>>, %arg11: memref<8192xf32, #tpu.memory_space<vmem>>, %arg12: memref<8192xf32, #tpu.memory_space<vmem>>, %arg13: memref<8192xf32, #tpu.memory_space<vmem>>, %arg14: memref<8192xf32, #tpu.memory_space<vmem>>, %arg15: memref<8192xf32, #tpu.memory_space<vmem>>, %arg16: memref<8192xf32, #tpu.memory_space<vmem>>, %arg17: memref<8192xf32, #tpu.memory_space<vmem>>, %arg18: memref<128xf32, #tpu.memory_space<vmem>>, %arg19: memref<128xf32, #tpu.memory_space<vmem>>, %arg20: memref<128xf32, #tpu.memory_space<vmem>>, %arg21: memref<8192xf32, #tpu.memory_space<vmem>>, %arg22: memref<512xf32, #tpu.memory_space<vmem>>, %arg23: memref<32xi32, #tpu.memory_space<vmem>>, %arg24: memref<128x32xf32, #tpu.memory_space<vmem>>, %arg25: memref<128x32xf32, #tpu.memory_space<vmem>>, %arg26: memref<128x32xf32, #tpu.memory_space<vmem>>) attributes {dimension_semantics = [#tpu.dimension_semantics<core_parallel>, #tpu.dimension_semantics<subcore_parallel>], iteration_bounds = array<i64: 2, 16>, scalar_prefetch = 0 : i64, scratch_operands = 16 : i64, tpu.core_type = #tpu.core_type<sc_vector_subcore>, window_params = [{transform_indices = #map}, {transform_indices = #map}, {transform_indices = #map}, {transform_indices = #map}, {transform_indices = #map}, {transform_indices = #map}, {transform_indices = #map1}, {transform_indices = #map1}, {transform_indices = #map1}]} {
    %mul3A = arith.constant 16 : i32
    %mul3A_0 = arith.muli %arg0, %mul3A : i32
    %add3A = arith.addi %mul3A_0, %arg1 : i32
    %shift_right_arithmetic3A = arith.constant 2 : i32
    %shift_right_arithmetic3A_1 = arith.shrsi %add3A, %shift_right_arithmetic3A : i32
    %and3A = arith.constant 3 : i32
    %and3A_2 = arith.andi %add3A, %and3A : i32
    %mul3A_3 = arith.constant 128 : i32
    %mul3A_4 = arith.muli %and3A_2, %mul3A_3 : i32
    "tpu.region"() ({
      %run_scoped3A = tpu.sem_alloc : memref<!tpu.dma_semaphore, #tpu.memory_space<semaphore_mem>>
      %dma_start3A = arith.constant 0 : i32
      %dma_start3A_17 = tpu.memref_slice %arg2[%shift_right_arithmetic3A_1, %dma_start3A] : memref<8x8192xf32, #tpu.memory_space<hbm>> -> memref<1x8192xf32, #tpu.memory_space<hbm>>
      %dma_start3A_18 = tpu.memref_squeeze %dma_start3A_17 : memref<1x8192xf32, #tpu.memory_space<hbm>> -> memref<8192xf32, #tpu.memory_space<hbm>>
      %dma_start3A_19 = arith.constant 0 : i32
      %dma_start3A_20 = tpu.memref_slice %arg2[%shift_right_arithmetic3A_1, %dma_start3A_19] : memref<8x8192xf32, #tpu.memory_space<hbm>> -> memref<1x8192xf32, #tpu.memory_space<hbm>>
      %dma_start3A_21 = tpu.memref_squeeze %dma_start3A_20 : memref<1x8192xf32, #tpu.memory_space<hbm>> -> memref<8192xf32, #tpu.memory_space<hbm>>
      tpu.enqueue_dma source(%dma_start3A_21 : memref<8192xf32, #tpu.memory_space<hbm>>) target(%arg11 : memref<8192xf32, #tpu.memory_space<vmem>>) target_semaphore(%run_scoped3A : memref<!tpu.dma_semaphore, #tpu.memory_space<semaphore_mem>>)
      %dma_wait3A = arith.constant 0 : i32
      %dma_wait3A_22 = tpu.memref_slice %arg2[%shift_right_arithmetic3A_1, %dma_wait3A] : memref<8x8192xf32, #tpu.memory_space<hbm>> -> memref<1x8192xf32, #tpu.memory_space<hbm>>
      %dma_wait3A_23 = tpu.memref_squeeze %dma_wait3A_22 : memref<1x8192xf32, #tpu.memory_space<hbm>> -> memref<8192xf32, #tpu.memory_space<hbm>>
      %dma_wait3A_24 = arith.constant 0 : i32
      %dma_wait3A_25 = tpu.memref_slice %arg2[%shift_right_arithmetic3A_1, %dma_wait3A_24] : memref<8x8192xf32, #tpu.memory_space<hbm>> -> memref<1x8192xf32, #tpu.memory_space<hbm>>
      %dma_wait3A_26 = tpu.memref_squeeze %dma_wait3A_25 : memref<1x8192xf32, #tpu.memory_space<hbm>> -> memref<8192xf32, #tpu.memory_space<hbm>>
      tpu.wait_dma2 semaphore(%run_scoped3A : memref<!tpu.dma_semaphore, #tpu.memory_space<semaphore_mem>>) src(%dma_wait3A_26 : memref<8192xf32, #tpu.memory_space<hbm>>) dst(%arg11 : memref<8192xf32, #tpu.memory_space<vmem>>)
      tpu.yield
    }) : () -> ()
    "tpu.region"() ({
      %run_scoped3A = tpu.sem_alloc : memref<!tpu.dma_semaphore, #tpu.memory_space<semaphore_mem>>
      %dma_start3A = arith.constant 0 : i32
      %dma_start3A_17 = tpu.memref_slice %arg3[%shift_right_arithmetic3A_1, %dma_start3A] : memref<8x8192xf32, #tpu.memory_space<hbm>> -> memref<1x8192xf32, #tpu.memory_space<hbm>>
      %dma_start3A_18 = tpu.memref_squeeze %dma_start3A_17 : memref<1x8192xf32, #tpu.memory_space<hbm>> -> memref<8192xf32, #tpu.memory_space<hbm>>
      %dma_start3A_19 = arith.constant 0 : i32
      %dma_start3A_20 = tpu.memref_slice %arg3[%shift_right_arithmetic3A_1, %dma_start3A_19] : memref<8x8192xf32, #tpu.memory_space<hbm>> -> memref<1x8192xf32, #tpu.memory_space<hbm>>
      %dma_start3A_21 = tpu.memref_squeeze %dma_start3A_20 : memref<1x8192xf32, #tpu.memory_space<hbm>> -> memref<8192xf32, #tpu.memory_space<hbm>>
      tpu.enqueue_dma source(%dma_start3A_21 : memref<8192xf32, #tpu.memory_space<hbm>>) target(%arg12 : memref<8192xf32, #tpu.memory_space<vmem>>) target_semaphore(%run_scoped3A : memref<!tpu.dma_semaphore, #tpu.memory_space<semaphore_mem>>)
      %dma_wait3A = arith.constant 0 : i32
      %dma_wait3A_22 = tpu.memref_slice %arg3[%shift_right_arithmetic3A_1, %dma_wait3A] : memref<8x8192xf32, #tpu.memory_space<hbm>> -> memref<1x8192xf32, #tpu.memory_space<hbm>>
      %dma_wait3A_23 = tpu.memref_squeeze %dma_wait3A_22 : memref<1x8192xf32, #tpu.memory_space<hbm>> -> memref<8192xf32, #tpu.memory_space<hbm>>
      %dma_wait3A_24 = arith.constant 0 : i32
      %dma_wait3A_25 = tpu.memref_slice %arg3[%shift_right_arithmetic3A_1, %dma_wait3A_24] : memref<8x8192xf32, #tpu.memory_space<hbm>> -> memref<1x8192xf32, #tpu.memory_space<hbm>>
      %dma_wait3A_26 = tpu.memref_squeeze %dma_wait3A_25 : memref<1x8192xf32, #tpu.memory_space<hbm>> -> memref<8192xf32, #tpu.memory_space<hbm>>
      tpu.wait_dma2 semaphore(%run_scoped3A : memref<!tpu.dma_semaphore, #tpu.memory_space<semaphore_mem>>) src(%dma_wait3A_26 : memref<8192xf32, #tpu.memory_space<hbm>>) dst(%arg12 : memref<8192xf32, #tpu.memory_space<vmem>>)
      tpu.yield
    }) : () -> ()
    "tpu.region"() ({
      %run_scoped3A = tpu.sem_alloc : memref<!tpu.dma_semaphore, #tpu.memory_space<semaphore_mem>>
      %dma_start3A = arith.constant 0 : i32
      %dma_start3A_17 = tpu.memref_slice %arg4[%shift_right_arithmetic3A_1, %dma_start3A] : memref<8x8192xf32, #tpu.memory_space<hbm>> -> memref<1x8192xf32, #tpu.memory_space<hbm>>
      %dma_start3A_18 = tpu.memref_squeeze %dma_start3A_17 : memref<1x8192xf32, #tpu.memory_space<hbm>> -> memref<8192xf32, #tpu.memory_space<hbm>>
      %dma_start3A_19 = arith.constant 0 : i32
      %dma_start3A_20 = tpu.memref_slice %arg4[%shift_right_arithmetic3A_1, %dma_start3A_19] : memref<8x8192xf32, #tpu.memory_space<hbm>> -> memref<1x8192xf32, #tpu.memory_space<hbm>>
      %dma_start3A_21 = tpu.memref_squeeze %dma_start3A_20 : memref<1x8192xf32, #tpu.memory_space<hbm>> -> memref<8192xf32, #tpu.memory_space<hbm>>
      tpu.enqueue_dma source(%dma_start3A_21 : memref<8192xf32, #tpu.memory_space<hbm>>) target(%arg13 : memref<8192xf32, #tpu.memory_space<vmem>>) target_semaphore(%run_scoped3A : memref<!tpu.dma_semaphore, #tpu.memory_space<semaphore_mem>>)
      %dma_wait3A = arith.constant 0 : i32
      %dma_wait3A_22 = tpu.memref_slice %arg4[%shift_right_arithmetic3A_1, %dma_wait3A] : memref<8x8192xf32, #tpu.memory_space<hbm>> -> memref<1x8192xf32, #tpu.memory_space<hbm>>
      %dma_wait3A_23 = tpu.memref_squeeze %dma_wait3A_22 : memref<1x8192xf32, #tpu.memory_space<hbm>> -> memref<8192xf32, #tpu.memory_space<hbm>>
      %dma_wait3A_24 = arith.constant 0 : i32
      %dma_wait3A_25 = tpu.memref_slice %arg4[%shift_right_arithmetic3A_1, %dma_wait3A_24] : memref<8x8192xf32, #tpu.memory_space<hbm>> -> memref<1x8192xf32, #tpu.memory_space<hbm>>
      %dma_wait3A_26 = tpu.memref_squeeze %dma_wait3A_25 : memref<1x8192xf32, #tpu.memory_space<hbm>> -> memref<8192xf32, #tpu.memory_space<hbm>>
      tpu.wait_dma2 semaphore(%run_scoped3A : memref<!tpu.dma_semaphore, #tpu.memory_space<semaphore_mem>>) src(%dma_wait3A_26 : memref<8192xf32, #tpu.memory_space<hbm>>) dst(%arg13 : memref<8192xf32, #tpu.memory_space<vmem>>)
      tpu.yield
    }) : () -> ()
    "tpu.region"() ({
      %run_scoped3A = tpu.sem_alloc : memref<!tpu.dma_semaphore, #tpu.memory_space<semaphore_mem>>
      %dma_start3A = tpu.memref_slice %arg5[%shift_right_arithmetic3A_1, %mul3A_4] : memref<8x512xf32, #tpu.memory_space<hbm>> -> memref<1x128xf32, #tpu.memory_space<hbm>>
      %dma_start3A_17 = tpu.memref_squeeze %dma_start3A : memref<1x128xf32, #tpu.memory_space<hbm>> -> memref<128xf32, #tpu.memory_space<hbm>>
      %dma_start3A_18 = tpu.memref_slice %arg5[%shift_right_arithmetic3A_1, %mul3A_4] : memref<8x512xf32, #tpu.memory_space<hbm>> -> memref<1x128xf32, #tpu.memory_space<hbm>>
      %dma_start3A_19 = tpu.memref_squeeze %dma_start3A_18 : memref<1x128xf32, #tpu.memory_space<hbm>> -> memref<128xf32, #tpu.memory_space<hbm>>
      tpu.enqueue_dma source(%dma_start3A_19 : memref<128xf32, #tpu.memory_space<hbm>>) target(%arg18 : memref<128xf32, #tpu.memory_space<vmem>>) target_semaphore(%run_scoped3A : memref<!tpu.dma_semaphore, #tpu.memory_space<semaphore_mem>>)
      %dma_wait3A = tpu.memref_slice %arg5[%shift_right_arithmetic3A_1, %mul3A_4] : memref<8x512xf32, #tpu.memory_space<hbm>> -> memref<1x128xf32, #tpu.memory_space<hbm>>
      %dma_wait3A_20 = tpu.memref_squeeze %dma_wait3A : memref<1x128xf32, #tpu.memory_space<hbm>> -> memref<128xf32, #tpu.memory_space<hbm>>
      %dma_wait3A_21 = tpu.memref_slice %arg5[%shift_right_arithmetic3A_1, %mul3A_4] : memref<8x512xf32, #tpu.memory_space<hbm>> -> memref<1x128xf32, #tpu.memory_space<hbm>>
      %dma_wait3A_22 = tpu.memref_squeeze %dma_wait3A_21 : memref<1x128xf32, #tpu.memory_space<hbm>> -> memref<128xf32, #tpu.memory_space<hbm>>
      tpu.wait_dma2 semaphore(%run_scoped3A : memref<!tpu.dma_semaphore, #tpu.memory_space<semaphore_mem>>) src(%dma_wait3A_22 : memref<128xf32, #tpu.memory_space<hbm>>) dst(%arg18 : memref<128xf32, #tpu.memory_space<vmem>>)
      tpu.yield
    }) : () -> ()
    "tpu.region"() ({
      %run_scoped3A = tpu.sem_alloc : memref<!tpu.dma_semaphore, #tpu.memory_space<semaphore_mem>>
      %dma_start3A = tpu.memref_slice %arg6[%shift_right_arithmetic3A_1, %mul3A_4] : memref<8x512xf32, #tpu.memory_space<hbm>> -> memref<1x128xf32, #tpu.memory_space<hbm>>
      %dma_start3A_17 = tpu.memref_squeeze %dma_start3A : memref<1x128xf32, #tpu.memory_space<hbm>> -> memref<128xf32, #tpu.memory_space<hbm>>
      %dma_start3A_18 = tpu.memref_slice %arg6[%shift_right_arithmetic3A_1, %mul3A_4] : memref<8x512xf32, #tpu.memory_space<hbm>> -> memref<1x128xf32, #tpu.memory_space<hbm>>
      %dma_start3A_19 = tpu.memref_squeeze %dma_start3A_18 : memref<1x128xf32, #tpu.memory_space<hbm>> -> memref<128xf32, #tpu.memory_space<hbm>>
      tpu.enqueue_dma source(%dma_start3A_19 : memref<128xf32, #tpu.memory_space<hbm>>) target(%arg19 : memref<128xf32, #tpu.memory_space<vmem>>) target_semaphore(%run_scoped3A : memref<!tpu.dma_semaphore, #tpu.memory_space<semaphore_mem>>)
      %dma_wait3A = tpu.memref_slice %arg6[%shift_right_arithmetic3A_1, %mul3A_4] : memref<8x512xf32, #tpu.memory_space<hbm>> -> memref<1x128xf32, #tpu.memory_space<hbm>>
      %dma_wait3A_20 = tpu.memref_squeeze %dma_wait3A : memref<1x128xf32, #tpu.memory_space<hbm>> -> memref<128xf32, #tpu.memory_space<hbm>>
      %dma_wait3A_21 = tpu.memref_slice %arg6[%shift_right_arithmetic3A_1, %mul3A_4] : memref<8x512xf32, #tpu.memory_space<hbm>> -> memref<1x128xf32, #tpu.memory_space<hbm>>
      %dma_wait3A_22 = tpu.memref_squeeze %dma_wait3A_21 : memref<1x128xf32, #tpu.memory_space<hbm>> -> memref<128xf32, #tpu.memory_space<hbm>>
      tpu.wait_dma2 semaphore(%run_scoped3A : memref<!tpu.dma_semaphore, #tpu.memory_space<semaphore_mem>>) src(%dma_wait3A_22 : memref<128xf32, #tpu.memory_space<hbm>>) dst(%arg19 : memref<128xf32, #tpu.memory_space<vmem>>)
      tpu.yield
    }) : () -> ()
    "tpu.region"() ({
      %run_scoped3A = tpu.sem_alloc : memref<!tpu.dma_semaphore, #tpu.memory_space<semaphore_mem>>
      %dma_start3A = tpu.memref_slice %arg7[%shift_right_arithmetic3A_1, %mul3A_4] : memref<8x512xf32, #tpu.memory_space<hbm>> -> memref<1x128xf32, #tpu.memory_space<hbm>>
      %dma_start3A_17 = tpu.memref_squeeze %dma_start3A : memref<1x128xf32, #tpu.memory_space<hbm>> -> memref<128xf32, #tpu.memory_space<hbm>>
      %dma_start3A_18 = tpu.memref_slice %arg7[%shift_right_arithmetic3A_1, %mul3A_4] : memref<8x512xf32, #tpu.memory_space<hbm>> -> memref<1x128xf32, #tpu.memory_space<hbm>>
      %dma_start3A_19 = tpu.memref_squeeze %dma_start3A_18 : memref<1x128xf32, #tpu.memory_space<hbm>> -> memref<128xf32, #tpu.memory_space<hbm>>
      tpu.enqueue_dma source(%dma_start3A_19 : memref<128xf32, #tpu.memory_space<hbm>>) target(%arg20 : memref<128xf32, #tpu.memory_space<vmem>>) target_semaphore(%run_scoped3A : memref<!tpu.dma_semaphore, #tpu.memory_space<semaphore_mem>>)
      %dma_wait3A = tpu.memref_slice %arg7[%shift_right_arithmetic3A_1, %mul3A_4] : memref<8x512xf32, #tpu.memory_space<hbm>> -> memref<1x128xf32, #tpu.memory_space<hbm>>
      %dma_wait3A_20 = tpu.memref_squeeze %dma_wait3A : memref<1x128xf32, #tpu.memory_space<hbm>> -> memref<128xf32, #tpu.memory_space<hbm>>
      %dma_wait3A_21 = tpu.memref_slice %arg7[%shift_right_arithmetic3A_1, %mul3A_4] : memref<8x512xf32, #tpu.memory_space<hbm>> -> memref<1x128xf32, #tpu.memory_space<hbm>>
      %dma_wait3A_22 = tpu.memref_squeeze %dma_wait3A_21 : memref<1x128xf32, #tpu.memory_space<hbm>> -> memref<128xf32, #tpu.memory_space<hbm>>
      tpu.wait_dma2 semaphore(%run_scoped3A : memref<!tpu.dma_semaphore, #tpu.memory_space<semaphore_mem>>) src(%dma_wait3A_22 : memref<128xf32, #tpu.memory_space<hbm>>) dst(%arg20 : memref<128xf32, #tpu.memory_space<vmem>>)
      tpu.yield
    }) : () -> ()
    %iota3A = tpu.iota {dimensions = array<i32: 0>} : vector<16xi32>
    %broadcast_in_dim3A = arith.constant 0x7F800000 : f32
    %broadcast_in_dim3A_5 = vector.broadcast %broadcast_in_dim3A : f32 to vector<16xf32>
    %scan3A = arith.constant 0 : i32
    %scan3A_6 = arith.constant 0 : i32
    %scan3A_7 = arith.constant 512 : i32
    %scan3A_8 = arith.addi %scan3A_6, %scan3A_7 : i32
    %scan3A_9 = arith.constant 2 : i32
    scf.for %scan3A_17 = %scan3A_6 to %scan3A_8 step %scan3A_9  : i32 {
      %mul3A_18 = arith.constant 16 : i32
      %mul3A_19 = arith.muli %scan3A_17, %mul3A_18 : i32
      %get3A = arith.index_cast %mul3A_19 : i32 to index
      %get3A_20 = tpu.vector_load %arg11[%get3A] {strides = array<i32>} : memref<8192xf32, #tpu.memory_space<vmem>>, vector<16xf32>,
      %get3A_21 = arith.index_cast %mul3A_19 : i32 to index
      %get3A_22 = tpu.vector_load %arg12[%get3A_21] {strides = array<i32>} : memref<8192xf32, #tpu.memory_space<vmem>>, vector<16xf32>,
      %get3A_23 = arith.index_cast %mul3A_19 : i32 to index
      %get3A_24 = tpu.vector_load %arg13[%get3A_23] {strides = array<i32>} : memref<8192xf32, #tpu.memory_space<vmem>>, vector<16xf32>,
      %mul3A_25 = arith.mulf %get3A_20, %get3A_20 : vector<16xf32>
      %mul3A_26 = arith.mulf %get3A_22, %get3A_22 : vector<16xf32>
      %add3A_27 = arith.addf %mul3A_25, %mul3A_26 : vector<16xf32>
      %mul3A_28 = arith.mulf %get3A_24, %get3A_24 : vector<16xf32>
      %add3A_29 = arith.addf %add3A_27, %mul3A_28 : vector<16xf32>
      %swap3A = arith.index_cast %mul3A_19 : i32 to index
      %swap3A_30 = tpu.vector_load %arg17[%swap3A] {strides = array<i32>} : memref<8192xf32, #tpu.memory_space<vmem>>, vector<16xf32>,
      tpu.vector_store %arg17[%swap3A], %add3A_29 {strides = array<i32>} : memref<8192xf32, #tpu.memory_space<vmem>>, vector<16xf32>,
      %bitcast3A = vector.bitcast %get3A_20 : vector<16xf32> to vector<16xi32>
      %add3A_31 = arith.constant 32767 : i32
      %add3A_32 = vector.broadcast %add3A_31 : i32 to vector<16xi32>
      %add3A_33 = arith.addi %bitcast3A, %add3A_32 : vector<16xi32>
      %shift_right_arithmetic3A_34 = arith.constant 16 : i32
      %shift_right_arithmetic3A_35 = vector.broadcast %shift_right_arithmetic3A_34 : i32 to vector<16xi32>
      %shift_right_arithmetic3A_36 = arith.shrsi %bitcast3A, %shift_right_arithmetic3A_35 : vector<16xi32>
      %and3A_37 = arith.constant 1 : i32
      %and3A_38 = vector.broadcast %and3A_37 : i32 to vector<16xi32>
      %and3A_39 = arith.andi %shift_right_arithmetic3A_36, %and3A_38 : vector<16xi32>
      %add3A_40 = arith.addi %add3A_33, %and3A_39 : vector<16xi32>
      %and3A_41 = arith.constant -65536 : i32
      %and3A_42 = vector.broadcast %and3A_41 : i32 to vector<16xi32>
      %and3A_43 = arith.andi %add3A_40, %and3A_42 : vector<16xi32>
      %bitcast3A_44 = vector.bitcast %and3A_43 : vector<16xi32> to vector<16xf32>
      %swap3A_45 = arith.index_cast %mul3A_19 : i32 to index
      %swap3A_46 = tpu.vector_load %arg14[%swap3A_45] {strides = array<i32>} : memref<8192xf32, #tpu.memory_space<vmem>>, vector<16xf32>,
      tpu.vector_store %arg14[%swap3A_45], %bitcast3A_44 {strides = array<i32>} : memref<8192xf32, #tpu.memory_space<vmem>>, vector<16xf32>,
      %bitcast3A_47 = vector.bitcast %get3A_22 : vector<16xf32> to vector<16xi32>
      %add3A_48 = arith.constant 32767 : i32
      %add3A_49 = vector.broadcast %add3A_48 : i32 to vector<16xi32>
      %add3A_50 = arith.addi %bitcast3A_47, %add3A_49 : vector<16xi32>
      %shift_right_arithmetic3A_51 = arith.constant 16 : i32
      %shift_right_arithmetic3A_52 = vector.broadcast %shift_right_arithmetic3A_51 : i32 to vector<16xi32>
      %shift_right_arithmetic3A_53 = arith.shrsi %bitcast3A_47, %shift_right_arithmetic3A_52 : vector<16xi32>
      %and3A_54 = arith.constant 1 : i32
      %and3A_55 = vector.broadcast %and3A_54 : i32 to vector<16xi32>
      %and3A_56 = arith.andi %shift_right_arithmetic3A_53, %and3A_55 : vector<16xi32>
      %add3A_57 = arith.addi %add3A_50, %and3A_56 : vector<16xi32>
      %and3A_58 = arith.constant -65536 : i32
      %and3A_59 = vector.broadcast %and3A_58 : i32 to vector<16xi32>
      %and3A_60 = arith.andi %add3A_57, %and3A_59 : vector<16xi32>
      %bitcast3A_61 = vector.bitcast %and3A_60 : vector<16xi32> to vector<16xf32>
      %swap3A_62 = arith.index_cast %mul3A_19 : i32 to index
      %swap3A_63 = tpu.vector_load %arg15[%swap3A_62] {strides = array<i32>} : memref<8192xf32, #tpu.memory_space<vmem>>, vector<16xf32>,
      tpu.vector_store %arg15[%swap3A_62], %bitcast3A_61 {strides = array<i32>} : memref<8192xf32, #tpu.memory_space<vmem>>, vector<16xf32>,
      %bitcast3A_64 = vector.bitcast %get3A_24 : vector<16xf32> to vector<16xi32>
      %add3A_65 = arith.constant 32767 : i32
      %add3A_66 = vector.broadcast %add3A_65 : i32 to vector<16xi32>
      %add3A_67 = arith.addi %bitcast3A_64, %add3A_66 : vector<16xi32>
      %shift_right_arithmetic3A_68 = arith.constant 16 : i32
      %shift_right_arithmetic3A_69 = vector.broadcast %shift_right_arithmetic3A_68 : i32 to vector<16xi32>
      %shift_right_arithmetic3A_70 = arith.shrsi %bitcast3A_64, %shift_right_arithmetic3A_69 : vector<16xi32>
      %and3A_71 = arith.constant 1 : i32
      %and3A_72 = vector.broadcast %and3A_71 : i32 to vector<16xi32>
      %and3A_73 = arith.andi %shift_right_arithmetic3A_70, %and3A_72 : vector<16xi32>
      %add3A_74 = arith.addi %add3A_67, %and3A_73 : vector<16xi32>
      %and3A_75 = arith.constant -65536 : i32
      %and3A_76 = vector.broadcast %and3A_75 : i32 to vector<16xi32>
      %and3A_77 = arith.andi %add3A_74, %and3A_76 : vector<16xi32>
      %bitcast3A_78 = vector.bitcast %and3A_77 : vector<16xi32> to vector<16xf32>
      %swap3A_79 = arith.index_cast %mul3A_19 : i32 to index
      %swap3A_80 = tpu.vector_load %arg16[%swap3A_79] {strides = array<i32>} : memref<8192xf32, #tpu.memory_space<vmem>>, vector<16xf32>,
      tpu.vector_store %arg16[%swap3A_79], %bitcast3A_78 {strides = array<i32>} : memref<8192xf32, #tpu.memory_space<vmem>>, vector<16xf32>,
      %scan3A_81 = arith.constant 1 : i32
      %scan3A_82 = arith.addi %scan3A_17, %scan3A_81 : i32
      %mul3A_83 = arith.constant 16 : i32
      %mul3A_84 = arith.muli %scan3A_82, %mul3A_83 : i32
      %get3A_85 = arith.index_cast %mul3A_84 : i32 to index
      %get3A_86 = tpu.vector_load %arg11[%get3A_85] {strides = array<i32>} : memref<8192xf32, #tpu.memory_space<vmem>>, vector<16xf32>,
      %get3A_87 = arith.index_cast %mul3A_84 : i32 to index
      %get3A_88 = tpu.vector_load %arg12[%get3A_87] {strides = array<i32>} : memref<8192xf32, #tpu.memory_space<vmem>>, vector<16xf32>,
      %get3A_89 = arith.index_cast %mul3A_84 : i32 to index
      %get3A_90 = tpu.vector_load %arg13[%get3A_89] {strides = array<i32>} : memref<8192xf32, #tpu.memory_space<vmem>>, vector<16xf32>,
      %mul3A_91 = arith.mulf %get3A_86, %get3A_86 : vector<16xf32>
      %mul3A_92 = arith.mulf %get3A_88, %get3A_88 : vector<16xf32>
      %add3A_93 = arith.addf %mul3A_91, %mul3A_92 : vector<16xf32>
      %mul3A_94 = arith.mulf %get3A_90, %get3A_90 : vector<16xf32>
      %add3A_95 = arith.addf %add3A_93, %mul3A_94 : vector<16xf32>
      %swap3A_96 = arith.index_cast %mul3A_84 : i32 to index
      %swap3A_97 = tpu.vector_load %arg17[%swap3A_96] {strides = array<i32>} : memref<8192xf32, #tpu.memory_space<vmem>>, vector<16xf32>,
      tpu.vector_store %arg17[%swap3A_96], %add3A_95 {strides = array<i32>} : memref<8192xf32, #tpu.memory_space<vmem>>, vector<16xf32>,
      %bitcast3A_98 = vector.bitcast %get3A_86 : vector<16xf32> to vector<16xi32>
      %add3A_99 = arith.constant 32767 : i32
      %add3A_100 = vector.broadcast %add3A_99 : i32 to vector<16xi32>
      %add3A_101 = arith.addi %bitcast3A_98, %add3A_100 : vector<16xi32>
      %shift_right_arithmetic3A_102 = arith.constant 16 : i32
      %shift_right_arithmetic3A_103 = vector.broadcast %shift_right_arithmetic3A_102 : i32 to vector<16xi32>
      %shift_right_arithmetic3A_104 = arith.shrsi %bitcast3A_98, %shift_right_arithmetic3A_103 : vector<16xi32>
      %and3A_105 = arith.constant 1 : i32
      %and3A_106 = vector.broadcast %and3A_105 : i32 to vector<16xi32>
      %and3A_107 = arith.andi %shift_right_arithmetic3A_104, %and3A_106 : vector<16xi32>
      %add3A_108 = arith.addi %add3A_101, %and3A_107 : vector<16xi32>
      %and3A_109 = arith.constant -65536 : i32
      %and3A_110 = vector.broadcast %and3A_109 : i32 to vector<16xi32>
      %and3A_111 = arith.andi %add3A_108, %and3A_110 : vector<16xi32>
      %bitcast3A_112 = vector.bitcast %and3A_111 : vector<16xi32> to vector<16xf32>
      %swap3A_113 = arith.index_cast %mul3A_84 : i32 to index
      %swap3A_114 = tpu.vector_load %arg14[%swap3A_113] {strides = array<i32>} : memref<8192xf32, #tpu.memory_space<vmem>>, vector<16xf32>,
      tpu.vector_store %arg14[%swap3A_113], %bitcast3A_112 {strides = array<i32>} : memref<8192xf32, #tpu.memory_space<vmem>>, vector<16xf32>,
      %bitcast3A_115 = vector.bitcast %get3A_88 : vector<16xf32> to vector<16xi32>
      %add3A_116 = arith.constant 32767 : i32
      %add3A_117 = vector.broadcast %add3A_116 : i32 to vector<16xi32>
      %add3A_118 = arith.addi %bitcast3A_115, %add3A_117 : vector<16xi32>
      %shift_right_arithmetic3A_119 = arith.constant 16 : i32
      %shift_right_arithmetic3A_120 = vector.broadcast %shift_right_arithmetic3A_119 : i32 to vector<16xi32>
      %shift_right_arithmetic3A_121 = arith.shrsi %bitcast3A_115, %shift_right_arithmetic3A_120 : vector<16xi32>
      %and3A_122 = arith.constant 1 : i32
      %and3A_123 = vector.broadcast %and3A_122 : i32 to vector<16xi32>
      %and3A_124 = arith.andi %shift_right_arithmetic3A_121, %and3A_123 : vector<16xi32>
      %add3A_125 = arith.addi %add3A_118, %and3A_124 : vector<16xi32>
      %and3A_126 = arith.constant -65536 : i32
      %and3A_127 = vector.broadcast %and3A_126 : i32 to vector<16xi32>
      %and3A_128 = arith.andi %add3A_125, %and3A_127 : vector<16xi32>
      %bitcast3A_129 = vector.bitcast %and3A_128 : vector<16xi32> to vector<16xf32>
      %swap3A_130 = arith.index_cast %mul3A_84 : i32 to index
      %swap3A_131 = tpu.vector_load %arg15[%swap3A_130] {strides = array<i32>} : memref<8192xf32, #tpu.memory_space<vmem>>, vector<16xf32>,
      tpu.vector_store %arg15[%swap3A_130], %bitcast3A_129 {strides = array<i32>} : memref<8192xf32, #tpu.memory_space<vmem>>, vector<16xf32>,
      %bitcast3A_132 = vector.bitcast %get3A_90 : vector<16xf32> to vector<16xi32>
      %add3A_133 = arith.constant 32767 : i32
      %add3A_134 = vector.broadcast %add3A_133 : i32 to vector<16xi32>
      %add3A_135 = arith.addi %bitcast3A_132, %add3A_134 : vector<16xi32>
      %shift_right_arithmetic3A_136 = arith.constant 16 : i32
      %shift_right_arithmetic3A_137 = vector.broadcast %shift_right_arithmetic3A_136 : i32 to vector<16xi32>
      %shift_right_arithmetic3A_138 = arith.shrsi %bitcast3A_132, %shift_right_arithmetic3A_137 : vector<16xi32>
      %and3A_139 = arith.constant 1 : i32
      %and3A_140 = vector.broadcast %and3A_139 : i32 to vector<16xi32>
      %and3A_141 = arith.andi %shift_right_arithmetic3A_138, %and3A_140 : vector<16xi32>
      %add3A_142 = arith.addi %add3A_135, %and3A_141 : vector<16xi32>
      %and3A_143 = arith.constant -65536 : i32
      %and3A_144 = vector.broadcast %and3A_143 : i32 to vector<16xi32>
      %and3A_145 = arith.andi %add3A_142, %and3A_144 : vector<16xi32>
      %bitcast3A_146 = vector.bitcast %and3A_145 : vector<16xi32> to vector<16xf32>
      %swap3A_147 = arith.index_cast %mul3A_84 : i32 to index
      %swap3A_148 = tpu.vector_load %arg16[%swap3A_147] {strides = array<i32>} : memref<8192xf32, #tpu.memory_space<vmem>>, vector<16xf32>,
      tpu.vector_store %arg16[%swap3A_147], %bitcast3A_146 {strides = array<i32>} : memref<8192xf32, #tpu.memory_space<vmem>>, vector<16xf32>,
    }
    %scan3A_10 = arith.constant 512 : i32
    %scan3A_11 = arith.constant 0 : i32
    %scan3A_12 = arith.constant 0 : i32
    %scan3A_13 = arith.constant 128 : i32
    %scan3A_14 = arith.addi %scan3A_12, %scan3A_13 : i32
    %scan3A_15 = arith.constant 1 : i32
    scf.for %scan3A_17 = %scan3A_12 to %scan3A_14 step %scan3A_15  : i32 {
      %broadcast_in_dim3A_18 = vector.broadcast %scan3A_17 : i32 to vector<16xi32>
      %gather3A = tpu.vector_load_idx %arg18[%broadcast_in_dim3A_18] : memref<128xf32, #tpu.memory_space<vmem>>[vector<16xi32>], vector<16xf32>,
      %gather3A_19 = tpu.vector_load_idx %arg19[%broadcast_in_dim3A_18] : memref<128xf32, #tpu.memory_space<vmem>>[vector<16xi32>], vector<16xf32>,
      %gather3A_20 = tpu.vector_load_idx %arg20[%broadcast_in_dim3A_18] : memref<128xf32, #tpu.memory_space<vmem>>[vector<16xi32>], vector<16xf32>,
      %mul3A_21 = arith.mulf %gather3A, %gather3A : vector<16xf32>
      %mul3A_22 = arith.mulf %gather3A_19, %gather3A_19 : vector<16xf32>
      %add3A_23 = arith.addf %mul3A_21, %mul3A_22 : vector<16xf32>
      %mul3A_24 = arith.mulf %gather3A_20, %gather3A_20 : vector<16xf32>
      %add3A_25 = arith.addf %add3A_23, %mul3A_24 : vector<16xf32>
      %bitcast3A = vector.bitcast %gather3A : vector<16xf32> to vector<16xi32>
      %add3A_26 = arith.constant 32767 : i32
      %add3A_27 = vector.broadcast %add3A_26 : i32 to vector<16xi32>
      %add3A_28 = arith.addi %bitcast3A, %add3A_27 : vector<16xi32>
      %shift_right_arithmetic3A_29 = arith.constant 16 : i32
      %shift_right_arithmetic3A_30 = vector.broadcast %shift_right_arithmetic3A_29 : i32 to vector<16xi32>
      %shift_right_arithmetic3A_31 = arith.shrsi %bitcast3A, %shift_right_arithmetic3A_30 : vector<16xi32>
      %and3A_32 = arith.constant 1 : i32
      %and3A_33 = vector.broadcast %and3A_32 : i32 to vector<16xi32>
      %and3A_34 = arith.andi %shift_right_arithmetic3A_31, %and3A_33 : vector<16xi32>
      %add3A_35 = arith.addi %add3A_28, %and3A_34 : vector<16xi32>
      %and3A_36 = arith.constant -65536 : i32
      %and3A_37 = vector.broadcast %and3A_36 : i32 to vector<16xi32>
      %and3A_38 = arith.andi %add3A_35, %and3A_37 : vector<16xi32>
      %bitcast3A_39 = vector.bitcast %and3A_38 : vector<16xi32> to vector<16xf32>
      %bitcast3A_40 = vector.bitcast %gather3A_19 : vector<16xf32> to vector<16xi32>
      %add3A_41 = arith.constant 32767 : i32
      %add3A_42 = vector.broadcast %add3A_41 : i32 to vector<16xi32>
      %add3A_43 = arith.addi %bitcast3A_40, %add3A_42 : vector<16xi32>
      %shift_right_arithmetic3A_44 = arith.constant 16 : i32
      %shift_right_arithmetic3A_45 = vector.broadcast %shift_right_arithmetic3A_44 : i32 to vector<16xi32>
      %shift_right_arithmetic3A_46 = arith.shrsi %bitcast3A_40, %shift_right_arithmetic3A_45 : vector<16xi32>
      %and3A_47 = arith.constant 1 : i32
      %and3A_48 = vector.broadcast %and3A_47 : i32 to vector<16xi32>
      %and3A_49 = arith.andi %shift_right_arithmetic3A_46, %and3A_48 : vector<16xi32>
      %add3A_50 = arith.addi %add3A_43, %and3A_49 : vector<16xi32>
      %and3A_51 = arith.constant -65536 : i32
      %and3A_52 = vector.broadcast %and3A_51 : i32 to vector<16xi32>
      %and3A_53 = arith.andi %add3A_50, %and3A_52 : vector<16xi32>
      %bitcast3A_54 = vector.bitcast %and3A_53 : vector<16xi32> to vector<16xf32>
      %bitcast3A_55 = vector.bitcast %gather3A_20 : vector<16xf32> to vector<16xi32>
      %add3A_56 = arith.constant 32767 : i32
      %add3A_57 = vector.broadcast %add3A_56 : i32 to vector<16xi32>
      %add3A_58 = arith.addi %bitcast3A_55, %add3A_57 : vector<16xi32>
      %shift_right_arithmetic3A_59 = arith.constant 16 : i32
      %shift_right_arithmetic3A_60 = vector.broadcast %shift_right_arithmetic3A_59 : i32 to vector<16xi32>
      %shift_right_arithmetic3A_61 = arith.shrsi %bitcast3A_55, %shift_right_arithmetic3A_60 : vector<16xi32>
      %and3A_62 = arith.constant 1 : i32
      %and3A_63 = vector.broadcast %and3A_62 : i32 to vector<16xi32>
      %and3A_64 = arith.andi %shift_right_arithmetic3A_61, %and3A_63 : vector<16xi32>
      %add3A_65 = arith.addi %add3A_58, %and3A_64 : vector<16xi32>
      %and3A_66 = arith.constant -65536 : i32
      %and3A_67 = vector.broadcast %and3A_66 : i32 to vector<16xi32>
      %and3A_68 = arith.andi %add3A_65, %and3A_67 : vector<16xi32>
      %bitcast3A_69 = vector.bitcast %and3A_68 : vector<16xi32> to vector<16xf32>
      %scan3A_70 = arith.constant 0 : i32
      %scan3A_71 = arith.constant 0 : i32
      %scan3A_72 = arith.constant 32 : i32
      %scan3A_73 = arith.addi %scan3A_71, %scan3A_72 : i32
      %scan3A_74 = arith.constant 1 : i32
      scf.for %scan3A_113 = %scan3A_71 to %scan3A_73 step %scan3A_74  : i32 {
        %scan3A_114 = arith.constant 0 : i32
        %scan3A_115 = arith.constant 16 : i32
        %scan3A_116 = arith.addi %scan3A_114, %scan3A_115 : i32
        %scan3A_117 = arith.constant 4 : i32
        %scan3A_118 = scf.for %scan3A_124 = %scan3A_114 to %scan3A_116 step %scan3A_117 iter_args(%scan3A_125 = %broadcast_in_dim3A_5) -> (vector<16xf32>)  : i32 {
          %mul3A_126 = arith.constant 16 : i32
          %mul3A_127 = arith.muli %scan3A_113, %mul3A_126 : i32
          %add3A_128 = arith.addi %mul3A_127, %scan3A_124 : i32
          %mul3A_129 = arith.constant 16 : i32
          %mul3A_130 = arith.muli %add3A_128, %mul3A_129 : i32
          %get3A_131 = arith.index_cast %mul3A_130 : i32 to index
          %get3A_132 = tpu.vector_load %arg14[%get3A_131] {strides = array<i32>} : memref<8192xf32, #tpu.memory_space<vmem>>, vector<16xf32>,
          %get3A_133 = arith.index_cast %mul3A_130 : i32 to index
          %get3A_134 = tpu.vector_load %arg15[%get3A_133] {strides = array<i32>} : memref<8192xf32, #tpu.memory_space<vmem>>, vector<16xf32>,
          %get3A_135 = arith.index_cast %mul3A_130 : i32 to index
          %get3A_136 = tpu.vector_load %arg16[%get3A_135] {strides = array<i32>} : memref<8192xf32, #tpu.memory_space<vmem>>, vector<16xf32>,
          %get3A_137 = arith.index_cast %mul3A_130 : i32 to index
          %get3A_138 = tpu.vector_load %arg17[%get3A_137] {strides = array<i32>} : memref<8192xf32, #tpu.memory_space<vmem>>, vector<16xf32>,
          %mul3A_139 = arith.mulf %bitcast3A_39, %get3A_132 : vector<16xf32>
          %mul3A_140 = arith.mulf %bitcast3A_54, %get3A_134 : vector<16xf32>
          %add3A_141 = arith.addf %mul3A_139, %mul3A_140 : vector<16xf32>
          %mul3A_142 = arith.mulf %bitcast3A_69, %get3A_136 : vector<16xf32>
          %add3A_143 = arith.addf %add3A_141, %mul3A_142 : vector<16xf32>
          %add3A_144 = arith.addf %add3A_25, %get3A_138 : vector<16xf32>
          %mul3A_145 = arith.constant 2.000000e+00 : f32
          %mul3A_146 = vector.broadcast %mul3A_145 : f32 to vector<16xf32>
          %mul3A_147 = arith.mulf %mul3A_146, %add3A_143 : vector<16xf32>
          %sub3A_148 = arith.subf %add3A_144, %mul3A_147 : vector<16xf32>
          %swap3A_149 = arith.index_cast %mul3A_130 : i32 to index
          %swap3A_150 = tpu.vector_load %arg21[%swap3A_149] {strides = array<i32>} : memref<8192xf32, #tpu.memory_space<vmem>>, vector<16xf32>,
          tpu.vector_store %arg21[%swap3A_149], %sub3A_148 {strides = array<i32>} : memref<8192xf32, #tpu.memory_space<vmem>>, vector<16xf32>,
          %min3A = arith.minimumf %scan3A_125, %sub3A_148 : vector<16xf32>
          %scan3A_151 = arith.constant 1 : i32
          %scan3A_152 = arith.addi %scan3A_124, %scan3A_151 : i32
          %mul3A_153 = arith.constant 16 : i32
          %mul3A_154 = arith.muli %scan3A_113, %mul3A_153 : i32
          %add3A_155 = arith.addi %mul3A_154, %scan3A_152 : i32
          %mul3A_156 = arith.constant 16 : i32
          %mul3A_157 = arith.muli %add3A_155, %mul3A_156 : i32
          %get3A_158 = arith.index_cast %mul3A_157 : i32 to index
          %get3A_159 = tpu.vector_load %arg14[%get3A_158] {strides = array<i32>} : memref<8192xf32, #tpu.memory_space<vmem>>, vector<16xf32>,
          %get3A_160 = arith.index_cast %mul3A_157 : i32 to index
          %get3A_161 = tpu.vector_load %arg15[%get3A_160] {strides = array<i32>} : memref<8192xf32, #tpu.memory_space<vmem>>, vector<16xf32>,
          %get3A_162 = arith.index_cast %mul3A_157 : i32 to index
          %get3A_163 = tpu.vector_load %arg16[%get3A_162] {strides = array<i32>} : memref<8192xf32, #tpu.memory_space<vmem>>, vector<16xf32>,
          %get3A_164 = arith.index_cast %mul3A_157 : i32 to index
          %get3A_165 = tpu.vector_load %arg17[%get3A_164] {strides = array<i32>} : memref<8192xf32, #tpu.memory_space<vmem>>, vector<16xf32>,
          %mul3A_166 = arith.mulf %bitcast3A_39, %get3A_159 : vector<16xf32>
          %mul3A_167 = arith.mulf %bitcast3A_54, %get3A_161 : vector<16xf32>
          %add3A_168 = arith.addf %mul3A_166, %mul3A_167 : vector<16xf32>
          %mul3A_169 = arith.mulf %bitcast3A_69, %get3A_163 : vector<16xf32>
          %add3A_170 = arith.addf %add3A_168, %mul3A_169 : vector<16xf32>
          %add3A_171 = arith.addf %add3A_25, %get3A_165 : vector<16xf32>
          %mul3A_172 = arith.constant 2.000000e+00 : f32
          %mul3A_173 = vector.broadcast %mul3A_172 : f32 to vector<16xf32>
          %mul3A_174 = arith.mulf %mul3A_173, %add3A_170 : vector<16xf32>
          %sub3A_175 = arith.subf %add3A_171, %mul3A_174 : vector<16xf32>
          %swap3A_176 = arith.index_cast %mul3A_157 : i32 to index
          %swap3A_177 = tpu.vector_load %arg21[%swap3A_176] {strides = array<i32>} : memref<8192xf32, #tpu.memory_space<vmem>>, vector<16xf32>,
          tpu.vector_store %arg21[%swap3A_176], %sub3A_175 {strides = array<i32>} : memref<8192xf32, #tpu.memory_space<vmem>>, vector<16xf32>,
          %min3A_178 = arith.minimumf %min3A, %sub3A_175 : vector<16xf32>
          %scan3A_179 = arith.constant 2 : i32
          %scan3A_180 = arith.addi %scan3A_124, %scan3A_179 : i32
          %mul3A_181 = arith.constant 16 : i32
          %mul3A_182 = arith.muli %scan3A_113, %mul3A_181 : i32
          %add3A_183 = arith.addi %mul3A_182, %scan3A_180 : i32
          %mul3A_184 = arith.constant 16 : i32
          %mul3A_185 = arith.muli %add3A_183, %mul3A_184 : i32
          %get3A_186 = arith.index_cast %mul3A_185 : i32 to index
          %get3A_187 = tpu.vector_load %arg14[%get3A_186] {strides = array<i32>} : memref<8192xf32, #tpu.memory_space<vmem>>, vector<16xf32>,
          %get3A_188 = arith.index_cast %mul3A_185 : i32 to index
          %get3A_189 = tpu.vector_load %arg15[%get3A_188] {strides = array<i32>} : memref<8192xf32, #tpu.memory_space<vmem>>, vector<16xf32>,
          %get3A_190 = arith.index_cast %mul3A_185 : i32 to index
          %get3A_191 = tpu.vector_load %arg16[%get3A_190] {strides = array<i32>} : memref<8192xf32, #tpu.memory_space<vmem>>, vector<16xf32>,
          %get3A_192 = arith.index_cast %mul3A_185 : i32 to index
          %get3A_193 = tpu.vector_load %arg17[%get3A_192] {strides = array<i32>} : memref<8192xf32, #tpu.memory_space<vmem>>, vector<16xf32>,
          %mul3A_194 = arith.mulf %bitcast3A_39, %get3A_187 : vector<16xf32>
          %mul3A_195 = arith.mulf %bitcast3A_54, %get3A_189 : vector<16xf32>
          %add3A_196 = arith.addf %mul3A_194, %mul3A_195 : vector<16xf32>
          %mul3A_197 = arith.mulf %bitcast3A_69, %get3A_191 : vector<16xf32>
          %add3A_198 = arith.addf %add3A_196, %mul3A_197 : vector<16xf32>
          %add3A_199 = arith.addf %add3A_25, %get3A_193 : vector<16xf32>
          %mul3A_200 = arith.constant 2.000000e+00 : f32
          %mul3A_201 = vector.broadcast %mul3A_200 : f32 to vector<16xf32>
          %mul3A_202 = arith.mulf %mul3A_201, %add3A_198 : vector<16xf32>
          %sub3A_203 = arith.subf %add3A_199, %mul3A_202 : vector<16xf32>
          %swap3A_204 = arith.index_cast %mul3A_185 : i32 to index
          %swap3A_205 = tpu.vector_load %arg21[%swap3A_204] {strides = array<i32>} : memref<8192xf32, #tpu.memory_space<vmem>>, vector<16xf32>,
          tpu.vector_store %arg21[%swap3A_204], %sub3A_203 {strides = array<i32>} : memref<8192xf32, #tpu.memory_space<vmem>>, vector<16xf32>,
          %min3A_206 = arith.minimumf %min3A_178, %sub3A_203 : vector<16xf32>
          %scan3A_207 = arith.constant 3 : i32
          %scan3A_208 = arith.addi %scan3A_124, %scan3A_207 : i32
          %mul3A_209 = arith.constant 16 : i32
          %mul3A_210 = arith.muli %scan3A_113, %mul3A_209 : i32
          %add3A_211 = arith.addi %mul3A_210, %scan3A_208 : i32
          %mul3A_212 = arith.constant 16 : i32
          %mul3A_213 = arith.muli %add3A_211, %mul3A_212 : i32
          %get3A_214 = arith.index_cast %mul3A_213 : i32 to index
          %get3A_215 = tpu.vector_load %arg14[%get3A_214] {strides = array<i32>} : memref<8192xf32, #tpu.memory_space<vmem>>, vector<16xf32>,
          %get3A_216 = arith.index_cast %mul3A_213 : i32 to index
          %get3A_217 = tpu.vector_load %arg15[%get3A_216] {strides = array<i32>} : memref<8192xf32, #tpu.memory_space<vmem>>, vector<16xf32>,
          %get3A_218 = arith.index_cast %mul3A_213 : i32 to index
          %get3A_219 = tpu.vector_load %arg16[%get3A_218] {strides = array<i32>} : memref<8192xf32, #tpu.memory_space<vmem>>, vector<16xf32>,
          %get3A_220 = arith.index_cast %mul3A_213 : i32 to index
          %get3A_221 = tpu.vector_load %arg17[%get3A_220] {strides = array<i32>} : memref<8192xf32, #tpu.memory_space<vmem>>, vector<16xf32>,
          %mul3A_222 = arith.mulf %bitcast3A_39, %get3A_215 : vector<16xf32>
          %mul3A_223 = arith.mulf %bitcast3A_54, %get3A_217 : vector<16xf32>
          %add3A_224 = arith.addf %mul3A_222, %mul3A_223 : vector<16xf32>
          %mul3A_225 = arith.mulf %bitcast3A_69, %get3A_219 : vector<16xf32>
          %add3A_226 = arith.addf %add3A_224, %mul3A_225 : vector<16xf32>
          %add3A_227 = arith.addf %add3A_25, %get3A_221 : vector<16xf32>
          %mul3A_228 = arith.constant 2.000000e+00 : f32
          %mul3A_229 = vector.broadcast %mul3A_228 : f32 to vector<16xf32>
          %mul3A_230 = arith.mulf %mul3A_229, %add3A_226 : vector<16xf32>
          %sub3A_231 = arith.subf %add3A_227, %mul3A_230 : vector<16xf32>
          %swap3A_232 = arith.index_cast %mul3A_213 : i32 to index
          %swap3A_233 = tpu.vector_load %arg21[%swap3A_232] {strides = array<i32>} : memref<8192xf32, #tpu.memory_space<vmem>>, vector<16xf32>,
          tpu.vector_store %arg21[%swap3A_232], %sub3A_231 {strides = array<i32>} : memref<8192xf32, #tpu.memory_space<vmem>>, vector<16xf32>,
          %min3A_234 = arith.minimumf %min3A_206, %sub3A_231 : vector<16xf32>
          scf.yield %min3A_234 : vector<16xf32>
        }
        %scan3A_119 = arith.constant 16 : i32
        %mul3A_120 = arith.constant 16 : i32
        %mul3A_121 = arith.muli %scan3A_113, %mul3A_120 : i32
        %swap3A_122 = arith.index_cast %mul3A_121 : i32 to index
        %swap3A_123 = tpu.vector_load %arg22[%swap3A_122] {strides = array<i32>} : memref<512xf32, #tpu.memory_space<vmem>>, vector<16xf32>,
        tpu.vector_store %arg22[%swap3A_122], %scan3A_118 {strides = array<i32>} : memref<512xf32, #tpu.memory_space<vmem>>, vector<16xf32>,
      }
      %scan3A_75 = arith.constant 32 : i32
      %scan3A_76 = arith.constant 0 : i32
      %scan3A_77 = arith.constant 0 : i32
      %scan3A_78 = arith.constant 32 : i32
      %scan3A_79 = arith.addi %scan3A_77, %scan3A_78 : i32
      %scan3A_80 = arith.constant 1 : i32
      scf.for %scan3A_113 = %scan3A_77 to %scan3A_79 step %scan3A_80  : i32 {
        %broadcast_in_dim3A_114 = arith.constant 0 : i32
        %broadcast_in_dim3A_115 = vector.broadcast %broadcast_in_dim3A_114 : i32 to vector<16xi32>
        %scan3A_116 = arith.constant 0 : i32
        %scan3A_117 = arith.constant 32 : i32
        %scan3A_118 = arith.addi %scan3A_116, %scan3A_117 : i32
        %scan3A_119 = arith.constant 4 : i32
        %scan3A_120:2 = scf.for %scan3A_199 = %scan3A_116 to %scan3A_118 step %scan3A_119 iter_args(%scan3A_200 = %broadcast_in_dim3A_5, %scan3A_201 = %broadcast_in_dim3A_115) -> (vector<16xf32>, vector<16xi32>)  : i32 {
          %mul3A_202 = arith.constant 16 : i32
          %mul3A_203 = arith.muli %scan3A_199, %mul3A_202 : i32
          %get3A_204 = arith.index_cast %mul3A_203 : i32 to index
          %get3A_205 = tpu.vector_load %arg22[%get3A_204] {strides = array<i32>} : memref<512xf32, #tpu.memory_space<vmem>>, vector<16xf32>,
          %lt3A = arith.cmpf olt, %get3A_205, %scan3A_200 : vector<16xf32>
          %select_n3A_206 = arith.select %lt3A, %get3A_205, %scan3A_200 : vector<16xi1>, vector<16xf32>
          %broadcast_in_dim3A_207 = vector.broadcast %scan3A_199 : i32 to vector<16xi32>
          %select_n3A_208 = arith.select %lt3A, %broadcast_in_dim3A_207, %scan3A_201 : vector<16xi1>, vector<16xi32>
          %scan3A_209 = arith.constant 1 : i32
          %scan3A_210 = arith.addi %scan3A_199, %scan3A_209 : i32
          %mul3A_211 = arith.constant 16 : i32
          %mul3A_212 = arith.muli %scan3A_210, %mul3A_211 : i32
          %get3A_213 = arith.index_cast %mul3A_212 : i32 to index
          %get3A_214 = tpu.vector_load %arg22[%get3A_213] {strides = array<i32>} : memref<512xf32, #tpu.memory_space<vmem>>, vector<16xf32>,
          %lt3A_215 = arith.cmpf olt, %get3A_214, %select_n3A_206 : vector<16xf32>
          %select_n3A_216 = arith.select %lt3A_215, %get3A_214, %select_n3A_206 : vector<16xi1>, vector<16xf32>
          %broadcast_in_dim3A_217 = vector.broadcast %scan3A_210 : i32 to vector<16xi32>
          %select_n3A_218 = arith.select %lt3A_215, %broadcast_in_dim3A_217, %select_n3A_208 : vector<16xi1>, vector<16xi32>
          %scan3A_219 = arith.constant 2 : i32
          %scan3A_220 = arith.addi %scan3A_199, %scan3A_219 : i32
          %mul3A_221 = arith.constant 16 : i32
          %mul3A_222 = arith.muli %scan3A_220, %mul3A_221 : i32
          %get3A_223 = arith.index_cast %mul3A_222 : i32 to index
          %get3A_224 = tpu.vector_load %arg22[%get3A_223] {strides = array<i32>} : memref<512xf32, #tpu.memory_space<vmem>>, vector<16xf32>,
          %lt3A_225 = arith.cmpf olt, %get3A_224, %select_n3A_216 : vector<16xf32>
          %select_n3A_226 = arith.select %lt3A_225, %get3A_224, %select_n3A_216 : vector<16xi1>, vector<16xf32>
          %broadcast_in_dim3A_227 = vector.broadcast %scan3A_220 : i32 to vector<16xi32>
          %select_n3A_228 = arith.select %lt3A_225, %broadcast_in_dim3A_227, %select_n3A_218 : vector<16xi1>, vector<16xi32>
          %scan3A_229 = arith.constant 3 : i32
          %scan3A_230 = arith.addi %scan3A_199, %scan3A_229 : i32
          %mul3A_231 = arith.constant 16 : i32
          %mul3A_232 = arith.muli %scan3A_230, %mul3A_231 : i32
          %get3A_233 = arith.index_cast %mul3A_232 : i32 to index
          %get3A_234 = tpu.vector_load %arg22[%get3A_233] {strides = array<i32>} : memref<512xf32, #tpu.memory_space<vmem>>, vector<16xf32>,
          %lt3A_235 = arith.cmpf olt, %get3A_234, %select_n3A_226 : vector<16xf32>
          %select_n3A_236 = arith.select %lt3A_235, %get3A_234, %select_n3A_226 : vector<16xi1>, vector<16xf32>
          %broadcast_in_dim3A_237 = vector.broadcast %scan3A_230 : i32 to vector<16xi32>
          %select_n3A_238 = arith.select %lt3A_235, %broadcast_in_dim3A_237, %select_n3A_228 : vector<16xi1>, vector<16xi32>
          scf.yield %select_n3A_236, %select_n3A_238 : vector<16xf32>, vector<16xi32>
        }
        %scan3A_121 = arith.constant 32 : i32
        %reduce_min3A = arith.constant true
        %reduce_min3A_122 = vector.broadcast %reduce_min3A : i1 to vector<16xi1>
        %reduce_min3A_123 = tpu.scan <min>, %scan3A_120#0 masked %reduce_min3A_122 : vector<16xf32>, vector<16xi1> -> vector<16xf32>
        %reduce_min3A_124 = vector.extract %reduce_min3A_123[15] : f32 from vector<16xf32>
        %eq3A = vector.broadcast %reduce_min3A_124 : f32 to vector<16xf32>
        %eq3A_125 = arith.cmpf oeq, %scan3A_120#0, %eq3A : vector<16xf32>
        %jit3A = arith.constant 2147483647 : i32
        %broadcast_in_dim3A_126 = vector.broadcast %jit3A : i32 to vector<16xi32>
        %select_n3A = arith.select %eq3A_125, %scan3A_120#1, %broadcast_in_dim3A_126 : vector<16xi1>, vector<16xi32>
        %reduce_min3A_127 = arith.constant true
        %reduce_min3A_128 = vector.broadcast %reduce_min3A_127 : i1 to vector<16xi1>
        %reduce_min3A_129 = arith.constant -2147483648 : i32
        %reduce_min3A_130 = vector.broadcast %reduce_min3A_129 : i32 to vector<16xi32>
        %reduce_min3A_131 = arith.xori %select_n3A, %reduce_min3A_130 : vector<16xi32>
        %reduce_min3A_132 = tpu.scan <min>, %reduce_min3A_131 masked %reduce_min3A_128 : vector<16xi32>, vector<16xi1> -> vector<16xi32>
        %reduce_min3A_133 = arith.xori %reduce_min3A_132, %reduce_min3A_130 : vector<16xi32>
        %reduce_min3A_134 = vector.extract %reduce_min3A_133[15] : i32 from vector<16xi32>
        %broadcast_in_dim3A_135 = arith.constant 2147483647 : i32
        %broadcast_in_dim3A_136 = vector.broadcast %broadcast_in_dim3A_135 : i32 to vector<16xi32>
        %scan3A_137 = arith.constant 0 : i32
        %scan3A_138 = arith.constant 16 : i32
        %scan3A_139 = arith.addi %scan3A_137, %scan3A_138 : i32
        %scan3A_140 = arith.constant 4 : i32
        %scan3A_141 = scf.for %scan3A_199 = %scan3A_137 to %scan3A_139 step %scan3A_140 iter_args(%scan3A_200 = %broadcast_in_dim3A_136) -> (vector<16xi32>)  : i32 {
          %mul3A_201 = arith.constant 16 : i32
          %mul3A_202 = arith.muli %reduce_min3A_134, %mul3A_201 : i32
          %add3A_203 = arith.addi %mul3A_202, %scan3A_199 : i32
          %mul3A_204 = arith.constant 16 : i32
          %mul3A_205 = arith.muli %add3A_203, %mul3A_204 : i32
          %get3A_206 = arith.index_cast %mul3A_205 : i32 to index
          %get3A_207 = tpu.vector_load %arg21[%get3A_206] {strides = array<i32>} : memref<8192xf32, #tpu.memory_space<vmem>>, vector<16xf32>,
          %eq3A_208 = vector.broadcast %reduce_min3A_124 : f32 to vector<16xf32>
          %eq3A_209 = arith.cmpf oeq, %get3A_207, %eq3A_208 : vector<16xf32>
          %eq3A_210 = arith.constant 2147483647 : i32
          %eq3A_211 = vector.broadcast %eq3A_210 : i32 to vector<16xi32>
          %eq3A_212 = arith.cmpi eq, %scan3A_200, %eq3A_211 : vector<16xi32>
          %and3A_213 = arith.andi %eq3A_209, %eq3A_212 : vector<16xi1>
          %broadcast_in_dim3A_214 = vector.broadcast %scan3A_199 : i32 to vector<16xi32>
          %select_n3A_215 = arith.select %and3A_213, %broadcast_in_dim3A_214, %scan3A_200 : vector<16xi1>, vector<16xi32>
          %scan3A_216 = arith.constant 1 : i32
          %scan3A_217 = arith.addi %scan3A_199, %scan3A_216 : i32
          %mul3A_218 = arith.constant 16 : i32
          %mul3A_219 = arith.muli %reduce_min3A_134, %mul3A_218 : i32
          %add3A_220 = arith.addi %mul3A_219, %scan3A_217 : i32
          %mul3A_221 = arith.constant 16 : i32
          %mul3A_222 = arith.muli %add3A_220, %mul3A_221 : i32
          %get3A_223 = arith.index_cast %mul3A_222 : i32 to index
          %get3A_224 = tpu.vector_load %arg21[%get3A_223] {strides = array<i32>} : memref<8192xf32, #tpu.memory_space<vmem>>, vector<16xf32>,
          %eq3A_225 = vector.broadcast %reduce_min3A_124 : f32 to vector<16xf32>
          %eq3A_226 = arith.cmpf oeq, %get3A_224, %eq3A_225 : vector<16xf32>
          %eq3A_227 = arith.constant 2147483647 : i32
          %eq3A_228 = vector.broadcast %eq3A_227 : i32 to vector<16xi32>
          %eq3A_229 = arith.cmpi eq, %select_n3A_215, %eq3A_228 : vector<16xi32>
          %and3A_230 = arith.andi %eq3A_226, %eq3A_229 : vector<16xi1>
          %broadcast_in_dim3A_231 = vector.broadcast %scan3A_217 : i32 to vector<16xi32>
          %select_n3A_232 = arith.select %and3A_230, %broadcast_in_dim3A_231, %select_n3A_215 : vector<16xi1>, vector<16xi32>
          %scan3A_233 = arith.constant 2 : i32
          %scan3A_234 = arith.addi %scan3A_199, %scan3A_233 : i32
          %mul3A_235 = arith.constant 16 : i32
          %mul3A_236 = arith.muli %reduce_min3A_134, %mul3A_235 : i32
          %add3A_237 = arith.addi %mul3A_236, %scan3A_234 : i32
          %mul3A_238 = arith.constant 16 : i32
          %mul3A_239 = arith.muli %add3A_237, %mul3A_238 : i32
          %get3A_240 = arith.index_cast %mul3A_239 : i32 to index
          %get3A_241 = tpu.vector_load %arg21[%get3A_240] {strides = array<i32>} : memref<8192xf32, #tpu.memory_space<vmem>>, vector<16xf32>,
          %eq3A_242 = vector.broadcast %reduce_min3A_124 : f32 to vector<16xf32>
          %eq3A_243 = arith.cmpf oeq, %get3A_241, %eq3A_242 : vector<16xf32>
          %eq3A_244 = arith.constant 2147483647 : i32
          %eq3A_245 = vector.broadcast %eq3A_244 : i32 to vector<16xi32>
          %eq3A_246 = arith.cmpi eq, %select_n3A_232, %eq3A_245 : vector<16xi32>
          %and3A_247 = arith.andi %eq3A_243, %eq3A_246 : vector<16xi1>
          %broadcast_in_dim3A_248 = vector.broadcast %scan3A_234 : i32 to vector<16xi32>
          %select_n3A_249 = arith.select %and3A_247, %broadcast_in_dim3A_248, %select_n3A_232 : vector<16xi1>, vector<16xi32>
          %scan3A_250 = arith.constant 3 : i32
          %scan3A_251 = arith.addi %scan3A_199, %scan3A_250 : i32
          %mul3A_252 = arith.constant 16 : i32
          %mul3A_253 = arith.muli %reduce_min3A_134, %mul3A_252 : i32
          %add3A_254 = arith.addi %mul3A_253, %scan3A_251 : i32
          %mul3A_255 = arith.constant 16 : i32
          %mul3A_256 = arith.muli %add3A_254, %mul3A_255 : i32
          %get3A_257 = arith.index_cast %mul3A_256 : i32 to index
          %get3A_258 = tpu.vector_load %arg21[%get3A_257] {strides = array<i32>} : memref<8192xf32, #tpu.memory_space<vmem>>, vector<16xf32>,
          %eq3A_259 = vector.broadcast %reduce_min3A_124 : f32 to vector<16xf32>
          %eq3A_260 = arith.cmpf oeq, %get3A_258, %eq3A_259 : vector<16xf32>
          %eq3A_261 = arith.constant 2147483647 : i32
          %eq3A_262 = vector.broadcast %eq3A_261 : i32 to vector<16xi32>
          %eq3A_263 = arith.cmpi eq, %select_n3A_249, %eq3A_262 : vector<16xi32>
          %and3A_264 = arith.andi %eq3A_260, %eq3A_263 : vector<16xi1>
          %broadcast_in_dim3A_265 = vector.broadcast %scan3A_251 : i32 to vector<16xi32>
          %select_n3A_266 = arith.select %and3A_264, %broadcast_in_dim3A_265, %select_n3A_249 : vector<16xi1>, vector<16xi32>
          scf.yield %select_n3A_266 : vector<16xi32>
        }
        %scan3A_142 = arith.constant 16 : i32
        %ne3A = arith.constant 2147483647 : i32
        %ne3A_143 = vector.broadcast %ne3A : i32 to vector<16xi32>
        %ne3A_144 = arith.cmpi ne, %scan3A_141, %ne3A_143 : vector<16xi32>
        %mul3A_145 = arith.constant 16 : i32
        %mul3A_146 = vector.broadcast %mul3A_145 : i32 to vector<16xi32>
        %mul3A_147 = arith.muli %scan3A_141, %mul3A_146 : vector<16xi32>
        %add3A_148 = arith.addi %mul3A_147, %iota3A : vector<16xi32>
        %jit3A_149 = arith.constant 2147483647 : i32
        %broadcast_in_dim3A_150 = vector.broadcast %jit3A_149 : i32 to vector<16xi32>
        %select_n3A_151 = arith.select %ne3A_144, %add3A_148, %broadcast_in_dim3A_150 : vector<16xi1>, vector<16xi32>
        %reduce_min3A_152 = arith.constant true
        %reduce_min3A_153 = vector.broadcast %reduce_min3A_152 : i1 to vector<16xi1>
        %reduce_min3A_154 = arith.constant -2147483648 : i32
        %reduce_min3A_155 = vector.broadcast %reduce_min3A_154 : i32 to vector<16xi32>
        %reduce_min3A_156 = arith.xori %select_n3A_151, %reduce_min3A_155 : vector<16xi32>
        %reduce_min3A_157 = tpu.scan <min>, %reduce_min3A_156 masked %reduce_min3A_153 : vector<16xi32>, vector<16xi1> -> vector<16xi32>
        %reduce_min3A_158 = arith.xori %reduce_min3A_157, %reduce_min3A_155 : vector<16xi32>
        %reduce_min3A_159 = vector.extract %reduce_min3A_158[15] : i32 from vector<16xi32>
        %mul3A_160 = arith.constant 256 : i32
        %mul3A_161 = arith.muli %reduce_min3A_134, %mul3A_160 : i32
        %add3A_162 = arith.addi %mul3A_161, %reduce_min3A_159 : i32
        %broadcast_in_dim3A_163 = vector.broadcast %add3A_162 : i32 to vector<16xi32>
        %shift_right_arithmetic3A_164 = arith.constant 4 : i32
        %shift_right_arithmetic3A_165 = arith.shrsi %scan3A_113, %shift_right_arithmetic3A_164 : i32
        %shift_left3A = arith.constant 4 : i32
        %shift_left3A_166 = arith.shli %shift_right_arithmetic3A_165, %shift_left3A : i32
        %and3A_167 = arith.constant 15 : i32
        %and3A_168 = arith.andi %scan3A_113, %and3A_167 : i32
        %get3A_169 = arith.index_cast %shift_left3A_166 : i32 to index
        %get3A_170 = tpu.vector_load %arg23[%get3A_169] {strides = array<i32>} : memref<32xi32, #tpu.memory_space<vmem>>, vector<16xi32>,
        %eq3A_171 = vector.broadcast %and3A_168 : i32 to vector<16xi32>
        %eq3A_172 = arith.cmpi eq, %iota3A, %eq3A_171 : vector<16xi32>
        %select_n3A_173 = arith.select %eq3A_172, %broadcast_in_dim3A_163, %get3A_170 : vector<16xi1>, vector<16xi32>
        %swap3A_174 = arith.index_cast %shift_left3A_166 : i32 to index
        %swap3A_175 = tpu.vector_load %arg23[%swap3A_174] {strides = array<i32>} : memref<32xi32, #tpu.memory_space<vmem>>, vector<16xi32>,
        tpu.vector_store %arg23[%swap3A_174], %select_n3A_173 {strides = array<i32>} : memref<32xi32, #tpu.memory_space<vmem>>, vector<16xi32>,
        %shift_right_arithmetic3A_176 = arith.constant 4 : i32
        %shift_right_arithmetic3A_177 = arith.shrsi %add3A_162, %shift_right_arithmetic3A_176 : i32
        %shift_left3A_178 = arith.constant 4 : i32
        %shift_left3A_179 = arith.shli %shift_right_arithmetic3A_177, %shift_left3A_178 : i32
        %and3A_180 = arith.constant 15 : i32
        %and3A_181 = arith.andi %add3A_162, %and3A_180 : i32
        %get3A_182 = arith.index_cast %shift_left3A_179 : i32 to index
        %get3A_183 = tpu.vector_load %arg21[%get3A_182] {strides = array<i32>} : memref<8192xf32, #tpu.memory_space<vmem>>, vector<16xf32>,
        %eq3A_184 = vector.broadcast %and3A_181 : i32 to vector<16xi32>
        %eq3A_185 = arith.cmpi eq, %iota3A, %eq3A_184 : vector<16xi32>
        %select_n3A_186 = arith.select %eq3A_185, %broadcast_in_dim3A_5, %get3A_183 : vector<16xi1>, vector<16xf32>
        %swap3A_187 = arith.index_cast %shift_left3A_179 : i32 to index
        %swap3A_188 = tpu.vector_load %arg21[%swap3A_187] {strides = array<i32>} : memref<8192xf32, #tpu.memory_space<vmem>>, vector<16xf32>,
        tpu.vector_store %arg21[%swap3A_187], %select_n3A_186 {strides = array<i32>} : memref<8192xf32, #tpu.memory_space<vmem>>, vector<16xf32>,
        %scan3A_189 = arith.constant 0 : i32
        %scan3A_190 = arith.constant 16 : i32
        %scan3A_191 = arith.addi %scan3A_189, %scan3A_190 : i32
        %scan3A_192 = arith.constant 4 : i32
        %scan3A_193 = scf.for %scan3A_199 = %scan3A_189 to %scan3A_191 step %scan3A_192 iter_args(%scan3A_200 = %broadcast_in_dim3A_5) -> (vector<16xf32>)  : i32 {
          %mul3A_201 = arith.constant 16 : i32
          %mul3A_202 = arith.muli %reduce_min3A_134, %mul3A_201 : i32
          %add3A_203 = arith.addi %mul3A_202, %scan3A_199 : i32
          %mul3A_204 = arith.constant 16 : i32
          %mul3A_205 = arith.muli %add3A_203, %mul3A_204 : i32
          %get3A_206 = arith.index_cast %mul3A_205 : i32 to index
          %get3A_207 = tpu.vector_load %arg21[%get3A_206] {strides = array<i32>} : memref<8192xf32, #tpu.memory_space<vmem>>, vector<16xf32>,
          %min3A = arith.minimumf %scan3A_200, %get3A_207 : vector<16xf32>
          %scan3A_208 = arith.constant 1 : i32
          %scan3A_209 = arith.addi %scan3A_199, %scan3A_208 : i32
          %mul3A_210 = arith.constant 16 : i32
          %mul3A_211 = arith.muli %reduce_min3A_134, %mul3A_210 : i32
          %add3A_212 = arith.addi %mul3A_211, %scan3A_209 : i32
          %mul3A_213 = arith.constant 16 : i32
          %mul3A_214 = arith.muli %add3A_212, %mul3A_213 : i32
          %get3A_215 = arith.index_cast %mul3A_214 : i32 to index
          %get3A_216 = tpu.vector_load %arg21[%get3A_215] {strides = array<i32>} : memref<8192xf32, #tpu.memory_space<vmem>>, vector<16xf32>,
          %min3A_217 = arith.minimumf %min3A, %get3A_216 : vector<16xf32>
          %scan3A_218 = arith.constant 2 : i32
          %scan3A_219 = arith.addi %scan3A_199, %scan3A_218 : i32
          %mul3A_220 = arith.constant 16 : i32
          %mul3A_221 = arith.muli %reduce_min3A_134, %mul3A_220 : i32
          %add3A_222 = arith.addi %mul3A_221, %scan3A_219 : i32
          %mul3A_223 = arith.constant 16 : i32
          %mul3A_224 = arith.muli %add3A_222, %mul3A_223 : i32
          %get3A_225 = arith.index_cast %mul3A_224 : i32 to index
          %get3A_226 = tpu.vector_load %arg21[%get3A_225] {strides = array<i32>} : memref<8192xf32, #tpu.memory_space<vmem>>, vector<16xf32>,
          %min3A_227 = arith.minimumf %min3A_217, %get3A_226 : vector<16xf32>
          %scan3A_228 = arith.constant 3 : i32
          %scan3A_229 = arith.addi %scan3A_199, %scan3A_228 : i32
          %mul3A_230 = arith.constant 16 : i32
          %mul3A_231 = arith.muli %reduce_min3A_134, %mul3A_230 : i32
          %add3A_232 = arith.addi %mul3A_231, %scan3A_229 : i32
          %mul3A_233 = arith.constant 16 : i32
          %mul3A_234 = arith.muli %add3A_232, %mul3A_233 : i32
          %get3A_235 = arith.index_cast %mul3A_234 : i32 to index
          %get3A_236 = tpu.vector_load %arg21[%get3A_235] {strides = array<i32>} : memref<8192xf32, #tpu.memory_space<vmem>>, vector<16xf32>,
          %min3A_237 = arith.minimumf %min3A_227, %get3A_236 : vector<16xf32>
          scf.yield %min3A_237 : vector<16xf32>
        }
        %scan3A_194 = arith.constant 16 : i32
        %mul3A_195 = arith.constant 16 : i32
        %mul3A_196 = arith.muli %reduce_min3A_134, %mul3A_195 : i32
        %swap3A_197 = arith.index_cast %mul3A_196 : i32 to index
        %swap3A_198 = tpu.vector_load %arg22[%swap3A_197] {strides = array<i32>} : memref<512xf32, #tpu.memory_space<vmem>>, vector<16xf32>,
        tpu.vector_store %arg22[%swap3A_197], %scan3A_193 {strides = array<i32>} : memref<512xf32, #tpu.memory_space<vmem>>, vector<16xf32>,
      }
      %scan3A_81 = arith.constant 32 : i32
      %get3A = arith.constant 0 : index
      %get3A_82 = tpu.vector_load %arg23[%get3A] {strides = array<i32>} : memref<32xi32, #tpu.memory_space<vmem>>, vector<16xi32>,
      %get3A_83 = arith.constant 16 : index
      %get3A_84 = tpu.vector_load %arg23[%get3A_83] {strides = array<i32>} : memref<32xi32, #tpu.memory_space<vmem>>, vector<16xi32>,
      %gather3A_85 = tpu.vector_load_idx %arg11[%get3A_82] : memref<8192xf32, #tpu.memory_space<vmem>>[vector<16xi32>], vector<16xf32>,
      %sub3A = arith.subf %gather3A_85, %gather3A : vector<16xf32>
      %swap3A = arith.index_cast %scan3A_17 : i32 to index
      %swap3A_86 = arith.constant 0 : index
      %swap3A_87 = tpu.vector_load %arg24[%swap3A, %swap3A_86] {strides = array<i32>} : memref<128x32xf32, #tpu.memory_space<vmem>>, vector<16xf32>,
      tpu.vector_store %arg24[%swap3A, %swap3A_86], %sub3A {strides = array<i32>} : memref<128x32xf32, #tpu.memory_space<vmem>>, vector<16xf32>,
      %gather3A_88 = tpu.vector_load_idx %arg11[%get3A_84] : memref<8192xf32, #tpu.memory_space<vmem>>[vector<16xi32>], vector<16xf32>,
      %sub3A_89 = arith.subf %gather3A_88, %gather3A : vector<16xf32>
      %swap3A_90 = arith.index_cast %scan3A_17 : i32 to index
      %swap3A_91 = arith.constant 16 : index
      %swap3A_92 = tpu.vector_load %arg24[%swap3A_90, %swap3A_91] {strides = array<i32>} : memref<128x32xf32, #tpu.memory_space<vmem>>, vector<16xf32>,
      tpu.vector_store %arg24[%swap3A_90, %swap3A_91], %sub3A_89 {strides = array<i32>} : memref<128x32xf32, #tpu.memory_space<vmem>>, vector<16xf32>,
      %gather3A_93 = tpu.vector_load_idx %arg12[%get3A_82] : memref<8192xf32, #tpu.memory_space<vmem>>[vector<16xi32>], vector<16xf32>,
      %sub3A_94 = arith.subf %gather3A_93, %gather3A_19 : vector<16xf32>
      %swap3A_95 = arith.index_cast %scan3A_17 : i32 to index
      %swap3A_96 = arith.constant 0 : index
      %swap3A_97 = tpu.vector_load %arg25[%swap3A_95, %swap3A_96] {strides = array<i32>} : memref<128x32xf32, #tpu.memory_space<vmem>>, vector<16xf32>,
      tpu.vector_store %arg25[%swap3A_95, %swap3A_96], %sub3A_94 {strides = array<i32>} : memref<128x32xf32, #tpu.memory_space<vmem>>, vector<16xf32>,
      %gather3A_98 = tpu.vector_load_idx %arg12[%get3A_84] : memref<8192xf32, #tpu.memory_space<vmem>>[vector<16xi32>], vector<16xf32>,
      %sub3A_99 = arith.subf %gather3A_98, %gather3A_19 : vector<16xf32>
      %swap3A_100 = arith.index_cast %scan3A_17 : i32 to index
      %swap3A_101 = arith.constant 16 : index
      %swap3A_102 = tpu.vector_load %arg25[%swap3A_100, %swap3A_101] {strides = array<i32>} : memref<128x32xf32, #tpu.memory_space<vmem>>, vector<16xf32>,
      tpu.vector_store %arg25[%swap3A_100, %swap3A_101], %sub3A_99 {strides = array<i32>} : memref<128x32xf32, #tpu.memory_space<vmem>>, vector<16xf32>,
      %gather3A_103 = tpu.vector_load_idx %arg13[%get3A_82] : memref<8192xf32, #tpu.memory_space<vmem>>[vector<16xi32>], vector<16xf32>,
      %sub3A_104 = arith.subf %gather3A_103, %gather3A_20 : vector<16xf32>
      %swap3A_105 = arith.index_cast %scan3A_17 : i32 to index
      %swap3A_106 = arith.constant 0 : index
      %swap3A_107 = tpu.vector_load %arg26[%swap3A_105, %swap3A_106] {strides = array<i32>} : memref<128x32xf32, #tpu.memory_space<vmem>>, vector<16xf32>,
      tpu.vector_store %arg26[%swap3A_105, %swap3A_106], %sub3A_104 {strides = array<i32>} : memref<128x32xf32, #tpu.memory_space<vmem>>, vector<16xf32>,
      %gather3A_108 = tpu.vector_load_idx %arg13[%get3A_84] : memref<8192xf32, #tpu.memory_space<vmem>>[vector<16xi32>], vector<16xf32>,
      %sub3A_109 = arith.subf %gather3A_108, %gather3A_20 : vector<16xf32>
      %swap3A_110 = arith.index_cast %scan3A_17 : i32 to index
      %swap3A_111 = arith.constant 16 : index
      %swap3A_112 = tpu.vector_load %arg26[%swap3A_110, %swap3A_111] {strides = array<i32>} : memref<128x32xf32, #tpu.memory_space<vmem>>, vector<16xf32>,
      tpu.vector_store %arg26[%swap3A_110, %swap3A_111], %sub3A_109 {strides = array<i32>} : memref<128x32xf32, #tpu.memory_space<vmem>>, vector<16xf32>,
    }
    %scan3A_16 = arith.constant 128 : i32
    "tpu.region"() ({
      %run_scoped3A = tpu.sem_alloc : memref<!tpu.dma_semaphore, #tpu.memory_space<semaphore_mem>>
      %dma_start3A = arith.constant 0 : i32
      %dma_start3A_17 = tpu.memref_slice %arg8[%shift_right_arithmetic3A_1, %mul3A_4, %dma_start3A] : memref<8x512x32xf32, #tpu.memory_space<hbm>> -> memref<1x128x32xf32, #tpu.memory_space<hbm>>
      %dma_start3A_18 = tpu.memref_squeeze %dma_start3A_17 : memref<1x128x32xf32, #tpu.memory_space<hbm>> -> memref<128x32xf32, #tpu.memory_space<hbm>>
      %dma_start3A_19 = arith.constant 0 : i32
      %dma_start3A_20 = tpu.memref_slice %arg8[%shift_right_arithmetic3A_1, %mul3A_4, %dma_start3A_19] : memref<8x512x32xf32, #tpu.memory_space<hbm>> -> memref<1x128x32xf32, #tpu.memory_space<hbm>>
      %dma_start3A_21 = tpu.memref_squeeze %dma_start3A_20 : memref<1x128x32xf32, #tpu.memory_space<hbm>> -> memref<128x32xf32, #tpu.memory_space<hbm>>
      tpu.enqueue_dma source(%arg24 : memref<128x32xf32, #tpu.memory_space<vmem>>) target(%dma_start3A_21 : memref<128x32xf32, #tpu.memory_space<hbm>>) target_semaphore(%run_scoped3A : memref<!tpu.dma_semaphore, #tpu.memory_space<semaphore_mem>>)
      %dma_wait3A = arith.constant 0 : i32
      %dma_wait3A_22 = tpu.memref_slice %arg8[%shift_right_arithmetic3A_1, %mul3A_4, %dma_wait3A] : memref<8x512x32xf32, #tpu.memory_space<hbm>> -> memref<1x128x32xf32, #tpu.memory_space<hbm>>
      %dma_wait3A_23 = tpu.memref_squeeze %dma_wait3A_22 : memref<1x128x32xf32, #tpu.memory_space<hbm>> -> memref<128x32xf32, #tpu.memory_space<hbm>>
      %dma_wait3A_24 = arith.constant 0 : i32
      %dma_wait3A_25 = tpu.memref_slice %arg8[%shift_right_arithmetic3A_1, %mul3A_4, %dma_wait3A_24] : memref<8x512x32xf32, #tpu.memory_space<hbm>> -> memref<1x128x32xf32, #tpu.memory_space<hbm>>
      %dma_wait3A_26 = tpu.memref_squeeze %dma_wait3A_25 : memref<1x128x32xf32, #tpu.memory_space<hbm>> -> memref<128x32xf32, #tpu.memory_space<hbm>>
      tpu.wait_dma2 semaphore(%run_scoped3A : memref<!tpu.dma_semaphore, #tpu.memory_space<semaphore_mem>>) src(%arg24 : memref<128x32xf32, #tpu.memory_space<vmem>>) dst(%dma_wait3A_26 : memref<128x32xf32, #tpu.memory_space<hbm>>)
      tpu.yield
    }) : () -> ()
    "tpu.region"() ({
      %run_scoped3A = tpu.sem_alloc : memref<!tpu.dma_semaphore, #tpu.memory_space<semaphore_mem>>
      %dma_start3A = arith.constant 0 : i32
      %dma_start3A_17 = tpu.memref_slice %arg9[%shift_right_arithmetic3A_1, %mul3A_4, %dma_start3A] : memref<8x512x32xf32, #tpu.memory_space<hbm>> -> memref<1x128x32xf32, #tpu.memory_space<hbm>>
      %dma_start3A_18 = tpu.memref_squeeze %dma_start3A_17 : memref<1x128x32xf32, #tpu.memory_space<hbm>> -> memref<128x32xf32, #tpu.memory_space<hbm>>
      %dma_start3A_19 = arith.constant 0 : i32
      %dma_start3A_20 = tpu.memref_slice %arg9[%shift_right_arithmetic3A_1, %mul3A_4, %dma_start3A_19] : memref<8x512x32xf32, #tpu.memory_space<hbm>> -> memref<1x128x32xf32, #tpu.memory_space<hbm>>
      %dma_start3A_21 = tpu.memref_squeeze %dma_start3A_20 : memref<1x128x32xf32, #tpu.memory_space<hbm>> -> memref<128x32xf32, #tpu.memory_space<hbm>>
      tpu.enqueue_dma source(%arg25 : memref<128x32xf32, #tpu.memory_space<vmem>>) target(%dma_start3A_21 : memref<128x32xf32, #tpu.memory_space<hbm>>) target_semaphore(%run_scoped3A : memref<!tpu.dma_semaphore, #tpu.memory_space<semaphore_mem>>)
      %dma_wait3A = arith.constant 0 : i32
      %dma_wait3A_22 = tpu.memref_slice %arg9[%shift_right_arithmetic3A_1, %mul3A_4, %dma_wait3A] : memref<8x512x32xf32, #tpu.memory_space<hbm>> -> memref<1x128x32xf32, #tpu.memory_space<hbm>>
      %dma_wait3A_23 = tpu.memref_squeeze %dma_wait3A_22 : memref<1x128x32xf32, #tpu.memory_space<hbm>> -> memref<128x32xf32, #tpu.memory_space<hbm>>
      %dma_wait3A_24 = arith.constant 0 : i32
      %dma_wait3A_25 = tpu.memref_slice %arg9[%shift_right_arithmetic3A_1, %mul3A_4, %dma_wait3A_24] : memref<8x512x32xf32, #tpu.memory_space<hbm>> -> memref<1x128x32xf32, #tpu.memory_space<hbm>>
      %dma_wait3A_26 = tpu.memref_squeeze %dma_wait3A_25 : memref<1x128x32xf32, #tpu.memory_space<hbm>> -> memref<128x32xf32, #tpu.memory_space<hbm>>
      tpu.wait_dma2 semaphore(%run_scoped3A : memref<!tpu.dma_semaphore, #tpu.memory_space<semaphore_mem>>) src(%arg25 : memref<128x32xf32, #tpu.memory_space<vmem>>) dst(%dma_wait3A_26 : memref<128x32xf32, #tpu.memory_space<hbm>>)
      tpu.yield
    }) : () -> ()
    "tpu.region"() ({
      %run_scoped3A = tpu.sem_alloc : memref<!tpu.dma_semaphore, #tpu.memory_space<semaphore_mem>>
      %dma_start3A = arith.constant 0 : i32
      %dma_start3A_17 = tpu.memref_slice %arg10[%shift_right_arithmetic3A_1, %mul3A_4, %dma_start3A] : memref<8x512x32xf32, #tpu.memory_space<hbm>> -> memref<1x128x32xf32, #tpu.memory_space<hbm>>
      %dma_start3A_18 = tpu.memref_squeeze %dma_start3A_17 : memref<1x128x32xf32, #tpu.memory_space<hbm>> -> memref<128x32xf32, #tpu.memory_space<hbm>>
      %dma_start3A_19 = arith.constant 0 : i32
      %dma_start3A_20 = tpu.memref_slice %arg10[%shift_right_arithmetic3A_1, %mul3A_4, %dma_start3A_19] : memref<8x512x32xf32, #tpu.memory_space<hbm>> -> memref<1x128x32xf32, #tpu.memory_space<hbm>>
      %dma_start3A_21 = tpu.memref_squeeze %dma_start3A_20 : memref<1x128x32xf32, #tpu.memory_space<hbm>> -> memref<128x32xf32, #tpu.memory_space<hbm>>
      tpu.enqueue_dma source(%arg26 : memref<128x32xf32, #tpu.memory_space<vmem>>) target(%dma_start3A_21 : memref<128x32xf32, #tpu.memory_space<hbm>>) target_semaphore(%run_scoped3A : memref<!tpu.dma_semaphore, #tpu.memory_space<semaphore_mem>>)
      %dma_wait3A = arith.constant 0 : i32
      %dma_wait3A_22 = tpu.memref_slice %arg10[%shift_right_arithmetic3A_1, %mul3A_4, %dma_wait3A] : memref<8x512x32xf32, #tpu.memory_space<hbm>> -> memref<1x128x32xf32, #tpu.memory_space<hbm>>
      %dma_wait3A_23 = tpu.memref_squeeze %dma_wait3A_22 : memref<1x128x32xf32, #tpu.memory_space<hbm>> -> memref<128x32xf32, #tpu.memory_space<hbm>>
      %dma_wait3A_24 = arith.constant 0 : i32
      %dma_wait3A_25 = tpu.memref_slice %arg10[%shift_right_arithmetic3A_1, %mul3A_4, %dma_wait3A_24] : memref<8x512x32xf32, #tpu.memory_space<hbm>> -> memref<1x128x32xf32, #tpu.memory_space<hbm>>
      %dma_wait3A_26 = tpu.memref_squeeze %dma_wait3A_25 : memref<1x128x32xf32, #tpu.memory_space<hbm>> -> memref<128x32xf32, #tpu.memory_space<hbm>>
      tpu.wait_dma2 semaphore(%run_scoped3A : memref<!tpu.dma_semaphore, #tpu.memory_space<semaphore_mem>>) src(%arg26 : memref<128x32xf32, #tpu.memory_space<vmem>>) dst(%dma_wait3A_26 : memref<128x32xf32, #tpu.memory_space<hbm>>)
      tpu.yield
    }) : () -> ()
    return
  }
}

</mosaic_0001>

<sc_bundles>
// kernel: kernel.4.cloned.1.call-start
scs
__scs_entry_jumppad:
0x0: {  	(pc) =	sbr.rel $0x88, $3  }
0x1: {  	(tag) =	ssettag $0x0;
	lr =	simm.s32 $0x1  }
0x2: {  	[smem:$0x3FA0] =	sst lr;
	_ =	strace $0xD0000000  }
0x3: {  	_ = 	snop  }
0x4: {  	_ = 	snop  }
0x5: {  	_ = 	snop  }
0x6: {  	_ = 	snop  }
0x7: {  	_ = 	snop  }
__scs_overlays_trampoline_lowered:
0x8: {  	[smem:$0x3FAF] =	sst s0  }
0x9: {  	[smem:$0x3FB0] =	sst s1  }
0xa: {  	[smem:$0x3FB1] =	sst s2  }
0xb: {  	[smem:$0x3FB2] =	sst s3  }
0xc: {  	[smem:$0x3FB3] =	sst s4  }
0xd: {  	[smem:$0x3FB4] =	sst s5  }
0xe: {  	[smem:$0x3FB5] =	sst s6  }
0xf: {  	[smem:$0x3FB6] =	sst s7  }
0x10: {  	[smem:$0x3FB7] =	sst s8  }
0x11: {  	[smem:$0x3FB8] =	sst s9;
	s0 =	simm.s32 @!p0 $0x0  }
0x12: {  	s1 =	sld [smem:$0x3F9E];
	s0 =	simm.s32 @p0 $0x1  }
0x13: {  	[smem:$0x3FB9] =	sst s0;
	s0 =	simm.s32 @!p1 $0x0  }
0x14: {  	s2 =	sld [smem:$0x3F9D];
	s0 =	simm.s32 @p1 $0x1  }
0x15: {  	[smem:$0x3FBA] =	sst s0;
	s0 =	simm.s32 @!p2 $0x0  }
0x16: {  	s3 =	sld [smem:$0x3FDB];
	s0 =	simm.s32 @p2 $0x1  }
0x17: {  	s4 =	simm.s32 $0x1BF5;
	[smem:$0x3FBC] =	sst s0  }
0x18: {  	s0 =	sld [smem:$0x3F9F];
	_ =	swait.ge [sflag:s4], $0x0  }
0x19: {  	s7 =	sld [smem:$0x3FA0]  }
0x1a: {  	s8 =	sadd.s32 $0xFFFFE003, lr  }
0x1b: {  	s9 =	sadd.s32 $0xFFFFFEF7, lr;
	s5 =	simm.s32 $0xFFFFFFFF;
	p2 =	slt.u32 s8, $0xFFFFF086  }
0x1c: {  	p1 =	slt.u32 s9, $0xF7A;
	s5 =	simm.s32 @!p2 $0x0  }
0x1d: {  	s5 =	simm.s32 @p1 $0x1;
	p0 =	seq.s32 s7, s2  }
0x1e: {  	s7 =	smul.u32 @!p0 $0xF7A, s2;
	p2 =	seq.s32 @!p0 s5, $0x0  }
0x1f: {  	s9 =	smul.u32 $0xF7A, s1;
	s8 =	simm.s32 @!p0 $0x1BF5;
	p2 =	por !p2, p0  }
0x20: {  	[sflag:s8] =	ssyncset.s32 @!p0 $0xFFFFF086;
	s6 =	sadd.s32 @!p0 s3, s7;
	s7 =	simm.s32 @!p0 $0x108  }
0x21: {  	s3 =	sadd.s32 s3, s9;
	s6 =	sadd.s32 @!p0 $0x88, s6;
	s7 =	simm.s32 @p2 $0x1082  }
0x22: {  	[simem:s7], [sflag:s8] =	dma.local @!p0 [hbm:s6], $0xF7A  }
0x23: {  	s9 =	sor.u32 $0xD0000000, s2;
	s6 =	simm.s32 $0x108;
	_ =	swait.ge @!p0 [sflag:s8], $0x0  }
0x24: {  	s3 =	sadd.s32 $0x88, s3;
	s6 =	simm.s32 @!p1 $0x1082;
	[sflag:s4] =	ssyncset.s32 $0xFFFFF086  }
0x25: {  	[simem:s6], [sflag:s4] =	dma.local [hbm:s3], $0xF7A  }
0x26: {  	[smem:$0x3FA0] =	sst s1;
	(tag) =	ssettag s2;
	_ =	strace s9  }
0x27: {  	s1 =	sld [smem:$0x3FB0]  }
0x28: {  	s2 =	sld [smem:$0x3FB1]  }
0x29: {  	s4 =	sld [smem:$0x3FB3]  }
0x2a: {  	p0 =	seq.s32 s5, $0x0;
	s5 =	sld [smem:$0x3FB4]  }
0x2b: {  	s6 =	sld [smem:$0x3FB5]  }
0x2c: {  	s7 =	sld [smem:$0x3FB6]  }
0x2d: {  	s3 =	simm.s32 $0x108;
	s8 =	sld [smem:$0x3FB7]  }
0x2e: {  	s3 =	simm.s32 @!p0 $0x1082;
	s9 =	sld [smem:$0x3FB8]  }
0x2f: {  	lr =	sadd.s32 s0, s3;
	s0 =	sld [smem:$0x3FAF]  }
0x30: {  	s3 =	sld [smem:$0x3FB2]  }
0x31: {  	[smem:$0x3FBB] =	sst s10  }
0x32: {  	s10 =	sld [smem:$0x3FB9];
	_ =	sdelay $0x3  }
0x33: {  	p0 =	seq.s32 s10, $0x1;
	s10 =	sld [smem:$0x3FBB];
	_ =	sdelay $0x3  }
0x34: {  	[smem:$0x3FBB] =	sst s10  }
0x35: {  	s10 =	sld [smem:$0x3FBA];
	_ =	sdelay $0x3  }
0x36: {  	p1 =	seq.s32 s10, $0x1;
	s10 =	sld [smem:$0x3FBB];
	_ =	sdelay $0x3  }
0x37: {  	[smem:$0x3FBB] =	sst s10  }
0x38: {  	s10 =	sld [smem:$0x3FBC]  }
0x39: {  	_ = 	snop;
	(pc) =	sbr.ind lr, $3  }
0x3a: {  	_ = 	snop  }
0x3b: {  	_ = 	snop  }
0x3c: {  	p2 =	seq.s32 s10, $0x1;
	s10 =	sld [smem:$0x3FBB]  }
0x3d: {  	_ =	shalt  }
0x3e: {  	_ =	shalt  }
0x3f: {  	_ =	shalt  }
0x40: {  	_ =	shalt  }
0x41: {  	_ =	shalt  }
0x42: {  	_ =	shalt  }
0x43: {  	_ =	shalt  }
0x44: {  	_ =	shalt  }
0x45: {  	_ =	shalt  }
0x46: {  	_ =	shalt  }
0x47: {  	_ =	shalt  }
0x48: {  	_ =	shalt  }
0x49: {  	_ =	shalt  }
0x4a: {  	_ =	shalt  }
0x4b: {  	_ =	shalt  }
0x4c: {  	_ =	shalt  }
0x4d: {  	_ =	shalt  }
0x4e: {  	_ =	shalt  }
0x4f: {  	_ =	shalt  }
0x50: {  	_ =	shalt  }
0x51: {  	_ =	shalt  }
0x52: {  	_ =	shalt  }
0x53: {  	_ =	shalt  }
0x54: {  	_ =	shalt  }
0x55: {  	_ =	shalt  }
0x56: {  	_ =	shalt  }
0x57: {  	_ =	shalt  }
0x58: {  	_ =	shalt  }
0x59: {  	_ =	shalt  }
0x5a: {  	_ =	shalt  }
0x5b: {  	_ =	shalt  }
0x5c: {  	_ =	shalt  }
0x5d: {  	_ =	shalt  }
0x5e: {  	_ =	shalt  }
0x5f: {  	_ =	shalt  }
0x60: {  	_ =	shalt  }
0x61: {  	_ =	shalt  }
0x62: {  	_ =	shalt  }
0x63: {  	_ =	shalt  }
0x64: {  	_ =	shalt  }
0x65: {  	_ =	shalt  }
0x66: {  	_ =	shalt  }
0x67: {  	_ =	shalt  }
0x68: {  	_ =	shalt  }
0x69: {  	_ =	shalt  }
0x6a: {  	_ =	shalt  }
0x6b: {  	_ =	shalt  }
0x6c: {  	_ =	shalt  }
0x6d: {  	_ =	shalt  }
0x6e: {  	_ =	shalt  }
0x6f: {  	_ =	shalt  }
0x70: {  	_ =	shalt  }
0x71: {  	_ =	shalt  }
0x72: {  	_ =	shalt  }
0x73: {  	_ =	shalt  }
0x74: {  	_ =	shalt  }
0x75: {  	_ =	shalt  }
0x76: {  	_ =	shalt  }
0x77: {  	_ =	shalt  }
0x78: {  	_ =	shalt  }
0x79: {  	_ =	shalt  }
0x7a: {  	_ =	shalt  }
0x7b: {  	_ =	shalt  }
0x7c: {  	_ =	shalt  }
0x7d: {  	_ =	shalt  }
0x7e: {  	_ =	shalt  }
0x7f: {  	_ =	shalt  }
0x80: {  	_ =	shalt  }
0x81: {  	_ =	shalt  }
0x82: {  	_ =	shalt  }
0x83: {  	_ =	shalt  }
0x84: {  	_ =	shalt  }
0x85: {  	_ =	shalt  }
0x86: {  	_ =	shalt  }
0x87: {  	_ =	shalt  }
.Lfunc_end0:
.L_simem_size_0:
called_computation_lowered:
.L_overlay_start_0:
0x88: {  	s2 =	sld [smem:$0x3FD9]  }
0x89: {  	s3 =	sld [smem:$0x3FFE];
	_ =	sdelay $0x1  }
0x8a: {  	s1 =	srdreg.scid  }
0x8b: {  	s0 =	sand.u32 $0x1, s1  }
0x8c: {  	s14 =	sshll.u32 s0, $0xA;
	s2 =	sadd.s32 s3, s2  }
0x8d: {  	s2 =	sadd.s32 s2, s14  }
0x8e: {  	[smem:$0x3FC7] =	sst s2  }
0x8f: {  	_ = 	snop  }
0x90: {  	s2 =	sld [smem:$0x3FD0];
	_ =	sdelay $0x2  }
0x91: {  	s15 =	simm.s32 $0xA;
	s4 =	simm.s32 $0x10  }
0x92: {  	[smem:s4], [sflag:s15] =	dma.local [hbm:s2], $0x1  }
0x93: {  	_ =	swait.eq [sflag:s15], $0x1  }
0x94: {  	[sflag:s15] =	ssyncset.done $0x0  }
0x95: {  	[sflag:s15] =	ssyncadd.s32 $0xFFFFFFFF  }
0x96: {  	s16 =	sld [smem:$0x10];
	(tm) =	ssettm $0x1  }
0x97: {  	s17 =	sld [smem:$0x3FFB];
	_ =	sdelay $0x3  }
0x98: {  	_ =	strace s17  }
0x99: {  	s3 =	sld [smem:$0x3FFC];
	_ =	sdelay $0x3  }
0x9a: {  	_ =	strace s3  }
0x9b: {  	s3 =	sld [smem:$0x3FFD];
	_ =	sdelay $0x3  }
0x9c: {  	_ =	strace s3  }
0x9d: {  	_ =	strace $0x8FFFFFFF  }
0x9e: {  	s18 =	sld [smem:$0x3FDB];
	_ =	sdelay $0x1  }
0x9f: {  	s19 =	simm.s32 $_scs_section_size  }
0xa0: {  	s5 =	simm.s32 $_size__tile_overlayer_lowered;
	s6 =	simm.s32 $_tile_overlayer_lowered  }
0xa1: {  	s22 =	simm.s32 $0x1BFF;
	s21 =	sshll.u32 s6, $0x1;
	s3 =	sadd.s32 s19, s18  }
0xa2: {  	s7 =	simm.s32 $0x0;
	s20 =	sshll.u32 s5, $0x1;
	s5 =	sadd.s32 s21, s3  }
0xa3: {  	[timem:s7], [sflag:s22] =	dma.local [hbm:s5], s20  }
0xa4: {  	_ =	swait.ge [sflag:s22], s20  }
0xa5: {  	s4 =	ssub.s32 $0x0, s20;
	[sflag:s22] =	ssyncset.done $0x0  }
0xa6: {  	[sflag:s22] =	ssyncadd.s32 s4;
	_ =	sdelay $0x1  }
0xa7: {  	s23 =	simm.s32 $0x1B8B  }
0xa8: {  	_ =	swait.ge [sflag:s23], $0x1  }
0xa9: {  	[sflag:s23] =	ssyncset.done $0x0  }
0xaa: {  	s25 =	simm.s32 $0x1B8E;
	s24 =	sld [smem:$0x3FFE];
	[sflag:s23] =	ssyncadd.s32 $0xFFFFFFFF  }
0xab: {  	s26 =	simm.s32 $execute0_lowered;
	[smem:$0x3FD2] =	sst s25  }
0xac: {  	s5 =	sshll.u32 s26, $0x1;
	_ =	strace $0x80000046;
	[dreg:$0x1] =	wrdreg $0xFFFFFFFF  }
0xad: {  	s28 =	simm.s32 $_size_execute0_lowered;
	s3 =	sadd.s32 s3, s5;
	[dreg:$0x0] =	wrdreg $0x0  }
0xae: {  	s5 =	sshll.u32 s28, $0x1;
	[dreg:$0x2] =	wrdreg s3  }
0xaf: {  	[dreg:$0x3] =	wrdreg s5  }
0xb0: {  	[dreg:$0x4] =	wrdreg $0xC0  }
0xb1: {  	_ =	task [dreg:s7], $0x5FFFF  }
0xb2: {  	[dreg:$0x1] =	wrdreg $0xFFFFFFFF  }
0xb3: {  	[dreg:$0x0] =	wrdreg $0x60  }
0xb4: {  	[dreg:$0x2] =	wrdreg s24  }
0xb5: {  	[dreg:$0x3] =	wrdreg s16  }
0xb6: {  	[dreg:$0x4] =	wrdreg $0x9  }
0xb7: {  	_ =	task.clear_ibuf [dreg:s7], $0x5FFFF;
	_ =	strace $0x90000046  }
0xb8: {  	s29 =	simm.s32 $0x9;
	_ =	strace $0x80000048  }
0xb9: {  	_ =	swait.ge [sflag:s29], $0x1  }
0xba: {  	[sflag:s29] =	ssyncadd.s32 $0xFFFFFFFF  }
0xbb: {  	_ =	strace $0x90000048  }
0xbc: {  	_ =	sfence  }
0xbd: {  	s30 =	sld [smem:$0x0];
	_ =	sdelay $0x2  }
0xbe: {  	s31 =	sshll.u32 s1, $0xD;
	s1 =	sshrl.u32 s1, $0x2  }
0xbf: {  	s3 =	sand.u32 $0x4000, s31;
	s1 =	sadd.s32 s1, s30  }
0xc0: {  	s0 =	sor.u32 s3, s0;
	s1 =	sshll.u32 s1, $0x11  }
0xc1: {  	s0 =	sor.u32 s1, s0  }
0xc2: {  	s0 =	sadd.s32 $0x8F2B, s0  }
0xc3: {  	[sflag:s0] =	ssyncadd.remote.s32 $0x1  }
0xc4: {  	_ =	sfence.sel $0xFFFF  }
0xc5: {  	[dreg:$0x0] =	wrdreg $0xFFFFFFFF;
	(pc) =	sbr.abs _section_cstart, $3  }
0xc6: {  	[dreg:$0x1] =	wrdreg $0xFFFFFFFF  }
0xc7: {  	_ =	task.clear_ibuf [dreg:s7], $0x2FFFF;
	_ =	strace $0x9FFFFFFF  }
0xc8: {  	(tm) =	ssettm $0x7FFFFFFF  }
0xc9: {  	_ =	shalt  }
tec
execute0_lowered:
.L_overlay_start_1:
0x0: {  	(tag) =	ssettag $0x1  }
0x1: {  	s0 =	srdreg.scid  }
0x2: {  	s1 =	sand.u32 $0x1, s0  }
0x3: {  	s5 =	stileid.u32;
	s4 =	sshll.u32 s1, $0x4  }
0x4: {  	s4 =	sor.u32 s5, s4  }
0x5: {  	p0 =	sgt.u32 s4, $0x7  }
.Ltmp0:
0x6: {  	_ = 	snop;
	(pc) =	sbr.rel @p0 .LBB2_9-.Ltmp0, $4  }
0x7: {  	_ = 	snop  }
0x8: {  	s3 =	rddreg [dreg:$0x0];
	s2 =	simm.s32 $0x0  }
0x9: {  	[smem:$0x7FF] =	sst s2  }
0xa: {  	s0 =	rddreg [dreg:$0x1];
	_ =	strace $0x80000047  }
0xb: {  	s4 =	stileid.u32  }
0xc: {  	s9 =	sadd.s32 $0x3C00, s3;
	s1 =	ssub.s32 $0x2, s1;
	s10 =	simm.s32 $0x80  }
0xd: {  	s11 =	simm.s32 $0x400;
	s12 =	simm.s32 $0x1;
	s13 =	simm.s32 $0x2000  }
0xe: {  	s14 =	simm.s32 $0x4000;
	s17 =	simm.s32 $0x8400;
	s18 =	simm.s32 $0x0  }
0xf: {  	s19 =	simm.s32 $0x0;
	s8 =	sshll.u32 s4, $0x4;
	s31 =	sshrl.u32 s1, $0x1  }
0x10: {  	s7 =	sadd.s32 s8, s3;
	s4 =	sadd.s32 s0, s8;
	s0 =	ssub.s32 s1, s31  }
0x11: {  	v0 =	vlaneseq.u32;
	s8 =	sadd.s32 s9, s8;
	s3 =	sadd.s32 $0x1C00, s7;
	s5 =	sadd.s32 $0x5C00, s7  }
0x12: {  	v1 =	vimm.f32 $+Inf;
	vm0 =	vmmov $0x1;
	v2 =	vor.u32 $0x80000000, v0;
	s6 =	sadd.s32 $0x5E00, s7;
	s7 =	sadd.s32 $0x6000, s7;
	s9 =	smax.u32 s0, $0x1  }
.LBB2_2:
0x13: {  	s0 =	simm.s32 $0x0  }
0x14: {  	[tilespmem:s0], [sflag:$0x1] =	stream.strided.gather [hbm4b:s8+s10], $0x2000, s11, s10, $0x38;
	[tilespmem:$0x8600] =	vst v63  }
0x15: {  	_ =	swait.ge [sflag:s12], $0x2000  }
0x16: {  	[sflag:s12] =	ssyncset.done $0x0  }
0x17: {  	[sflag:s12] =	ssyncadd.s32 $0xFFFFE000  }
0x18: {  	[tilespmem:s13], [sflag:$0x1] =	stream.strided.gather [hbm4b:s3+s10], $0x2000, s11, s10, $0x38;
	[tilespmem:$0x8600] =	vst v63  }
0x19: {  	_ =	swait.ge [sflag:s12], $0x2000  }
0x1a: {  	[sflag:s12] =	ssyncset.done $0x0  }
0x1b: {  	[sflag:s12] =	ssyncadd.s32 $0xFFFFE000  }
0x1c: {  	[tilespmem:s14], [sflag:$0x1] =	stream.strided.gather [hbm4b:s4+s10], $0x2000, s11, s10, $0x38;
	[tilespmem:$0x8600] =	vst v63  }
0x1d: {  	_ =	swait.ge [sflag:s12], $0x2000  }
0x1e: {  	[sflag:s12] =	ssyncset.done $0x0  }
0x1f: {  	s1 =	simm.s32 $0x0;
	s0 =	simm.s32 $0x40;
	[sflag:s12] =	ssyncadd.s32 $0xFFFFE000  }
.LBB2_3:
0x20: {  	p0 =	sne.s32 s0, $0x7FC0;
	[tilespmem:s1+$0x6000] =	vst v1;
	s1 =	smov.u32 s0;
	s0 =	sadd.s32 $0x40, s0  }
.Ltmp1:
0x21: {  	(pc) =	sbr.rel @p0 .LBB2_3-.Ltmp1, $2  }
0x22: {  	_ =	sdelay $0x2  }
0x23: {  	s1 =	sshra.s32 s1, $0x2  }
0x24: {  	[tilespmem:s1+$0x6000] =	vst v1  }
0x25: {  	v3 =	vld [tilespmem:$0x0]  }
0x26: {  	v4 =	vld [tilespmem:$0x2000]  }
0x27: {  	v5 =	vld [tilespmem:$0x4000];
	_ =	sdelay $0x2  }
0x28: {  	(v2sf) =	vpush v3, $0x0  }
0x29: {  	(v2sf) =	vpush v4, $0x0  }
0x2a: {  	(v2sf) =	vpush v5, $0x0;
	_ =	sdelay $0x6  }
0x2b: {  	v6 =	vld [tilespmem:$0x8000]  }
0x2c: {  	v7 =	vld [tilespmem:$0x8200]  }
0x2d: {  	v8 =	vld [tilespmem:$0x8400];
	_ =	sdelay $0x2  }
0x2e: {  	v3 =	vsel vm0, v3, v6  }
0x2f: {  	[tilespmem:$0x8000] =	vst v3;
	v3 =	vsel vm0, v4, v7;
	s0 =	spop (v2sf)  }
0x30: {  	[tilespmem:$0x8200] =	vst v3;
	v3 =	vsel vm0, v5, v8;
	s21 =	spop (v2sf)  }
0x31: {  	s20 =	simm.s32 $0x0;
	[tilespmem:$0x8400] =	vst v3;
	s22 =	spop (v2sf)  }
.LBB2_5:
0x32: {  	s1 =	simm.s32 $0x2020  }
0x33: {  	s23 =	simm.s32 $0x20;
	v5 =	vld [tilespmem:s1+$0xFFFFFFE0]  }
0x34: {  	v6 =	vld [tilespmem:s23+$0xFFFFFFE0]  }
0x35: {  	s15 =	simm.s32 $0x4020  }
0x36: {  	v7 =	vld [tilespmem:s15+$0xFFFFFFE0];
	_ =	sdelay $0x1  }
0x37: {  	v3 =	vmov s0;
	v4 =	vmov s21  }
0x38: {  	v8 =	vsub.f32 v5, v4;
	v6 =	vsub.f32 v6, v3  }
0x39: {  	v5 =	vmov s22  }
0x3a: {  	s25 =	simm.s32 $0x6020;
	v7 =	vsub.f32 v7, v5;
	v6 =	vmul.f32 v6, v6;
	v8 =	vmul.f32 v8, v8  }
0x3b: {  	v9 =	vld [tilespmem:s25+$0xFFFFFFE0]  }
0x3c: {  	v7 =	vmul.f32 v7, v7;
	v6 =	vadd.f32 v8, v6;
	_ =	sdelay $0x1  }
0x3d: {  	v6 =	vadd.f32 v7, v6;
	_ =	sdelay $0x1  }
0x3e: {  	v6 =	vmin.f32 v9, v6  }
0x3f: {  	[tilespmem:s25+$0xFFFFFFE0] =	vst v6  }
0x40: {  	v7 =	vld [tilespmem:s23+$0xFFFFFFF0]  }
0x41: {  	v8 =	vld [tilespmem:s1+$0xFFFFFFF0];
	_ =	sdelay $0x1  }
0x42: {  	v9 =	vld [tilespmem:s15+$0xFFFFFFF0];
	_ =	sdelay $0x2  }
0x43: {  	v7 =	vsub.f32 v7, v3;
	v8 =	vsub.f32 v8, v4;
	_ =	sdelay $0x1  }
0x44: {  	v9 =	vsub.f32 v9, v5;
	v7 =	vmul.f32 v7, v7;
	v8 =	vmul.f32 v8, v8  }
0x45: {  	v10 =	vld [tilespmem:s25+$0xFFFFFFF0]  }
0x46: {  	v7 =	vadd.f32 v8, v7;
	v8 =	vmul.f32 v9, v9;
	_ =	sdelay $0x1  }
0x47: {  	v7 =	vadd.f32 v8, v7;
	_ =	sdelay $0x1  }
0x48: {  	v7 =	vmin.f32 v10, v7  }
0x49: {  	[tilespmem:s25+$0xFFFFFFF0] =	vst v7  }
0x4a: {  	v8 =	vld [tilespmem:s23+$0x0]  }
0x4b: {  	v9 =	vld [tilespmem:s1+$0x0];
	_ =	sdelay $0x1  }
0x4c: {  	v10 =	vld [tilespmem:s15+$0x0];
	_ =	sdelay $0x2  }
0x4d: {  	v8 =	vsub.f32 v8, v3;
	v9 =	vsub.f32 v9, v4;
	_ =	sdelay $0x1  }
0x4e: {  	v10 =	vsub.f32 v10, v5;
	v8 =	vmul.f32 v8, v8;
	v9 =	vmul.f32 v9, v9  }
0x4f: {  	v11 =	vld [tilespmem:s25+$0x0]  }
0x50: {  	v8 =	vadd.f32 v9, v8;
	v9 =	vmul.f32 v10, v10;
	_ =	sdelay $0x1  }
0x51: {  	v10 =	vimm.f32 $-Inf;
	v8 =	vadd.f32 v9, v8  }
0x52: {  	vm1 =	vgt.f32 v6, v10  }
0x53: {  	v12 =	vsel vm1, v6, v10;
	v6 =	vmin.f32 v11, v8  }
0x54: {  	[tilespmem:s25+$0x0] =	vst v6  }
0x55: {  	s21 =	simm.s32 $0x4;
	v10 =	vld [tilespmem:s23+$0x10]  }
0x56: {  	s24 =	simm.s32 $0x60;
	s29 =	simm.s32 $0x2060;
	s30 =	simm.s32 $0x4060;
	vm2 =	vgt.f32 v7, v12;
	v8 =	vimm.s32 $0x0;
	v11 =	vld [tilespmem:s1+$0x10]  }
0x57: {  	s31 =	simm.s32 $0x6060;
	s0 =	simm.s32 $0x8;
	s16 =	simm.s32 $0x1;
	v13 =	vsel vm1, s19, v8;
	v8 =	vsel vm2, v7, v12;
	v12 =	vld [tilespmem:s15+$0x10]  }
0x58: {  	s26 =	simm.s32 $0x2;
	s28 =	simm.s32 $0x4060;
	s22 =	simm.s32 $0x6060;
	v7 =	vsel vm2, s16, v13;
	vm1 =	vgt.f32 v6, v8  }
0x59: {  	v9 =	vld [tilespmem:s25+$0x10];
	s23 =	simm.s32 $0x3;
	s1 =	simm.s32 $0xA0;
	v7 =	vsel vm1, s26, v7;
	s26 =	simm.s32 $0x2060  }
.LBB2_6:
0x5a: {  	s29 =	sadd.s32 $0x40, s29;
	s30 =	sadd.s32 $0x40, s30;
	s31 =	sadd.s32 $0x40, s31  }
0x5b: {  	p0 =	slt.u32 s0, $0x1FC;
	v10 =	vsub.f32 v10, v3;
	s15 =	smov.u32 s0;
	s0 =	sadd.s32 $0x4, s0;
	v11 =	vsub.f32 v11, v4  }
0x5c: {  	v12 =	vsub.f32 v12, v5  }
0x5d: {  	s16 =	sadd.s32 $0x3, s21;
	v10 =	vmul.f32 v10, v10;
	v11 =	vmul.f32 v11, v11  }
0x5e: {  	v12 =	vmul.f32 v12, v12  }
0x5f: {  	v10 =	vadd.f32 v11, v10;
	_ =	sdelay $0x1  }
0x60: {  	v10 =	vadd.f32 v12, v10  }
0x61: {  	v6 =	vsel vm1, v6, v8  }
0x62: {  	v8 =	vmin.f32 v9, v10  }
0x63: {  	[tilespmem:s25+$0x10] =	vst v8;
	vm1 =	vgt.f32 v8, v6;
	s25 =	smov.u32 s22;
	s22 =	smov.u32 s31  }
0x64: {  	v9 =	vld [tilespmem:s26+$0xFFFFFFE0];
	v6 =	vsel vm1, v8, v6;
	v7 =	vsel vm1, s23, v7;
	s23 =	smov.u32 s16  }
0x65: {  	v8 =	vld [tilespmem:s24+$0xFFFFFFE0];
	_ =	sdelay $0x1  }
0x66: {  	v10 =	vld [tilespmem:s28+$0xFFFFFFE0];
	_ =	sdelay $0x1  }
0x67: {  	v9 =	vsub.f32 v9, v4  }
0x68: {  	v8 =	vsub.f32 v8, v3;
	_ =	sdelay $0x1  }
0x69: {  	v9 =	vmul.f32 v9, v9;
	v10 =	vsub.f32 v10, v5;
	v8 =	vmul.f32 v8, v8  }
0x6a: {  	v11 =	vld [tilespmem:s25+$0xFFFFFFE0]  }
0x6b: {  	v8 =	vadd.f32 v9, v8;
	v9 =	vmul.f32 v10, v10;
	_ =	sdelay $0x1  }
0x6c: {  	v8 =	vadd.f32 v9, v8;
	_ =	sdelay $0x1  }
0x6d: {  	v8 =	vmin.f32 v11, v8  }
0x6e: {  	[tilespmem:s25+$0xFFFFFFE0] =	vst v8  }
0x6f: {  	v9 =	vld [tilespmem:s24+$0xFFFFFFF0]  }
0x70: {  	v10 =	vld [tilespmem:s26+$0xFFFFFFF0];
	_ =	sdelay $0x1  }
0x71: {  	v11 =	vld [tilespmem:s28+$0xFFFFFFF0];
	_ =	sdelay $0x1  }
0x72: {  	v9 =	vsub.f32 v9, v3  }
0x73: {  	v10 =	vsub.f32 v10, v4;
	_ =	sdelay $0x1  }
0x74: {  	v9 =	vmul.f32 v9, v9;
	v11 =	vsub.f32 v11, v5;
	v10 =	vmul.f32 v10, v10  }
0x75: {  	v12 =	vld [tilespmem:s25+$0xFFFFFFF0]  }
0x76: {  	v9 =	vadd.f32 v10, v9;
	v10 =	vmul.f32 v11, v11;
	_ =	sdelay $0x1  }
0x77: {  	v9 =	vadd.f32 v10, v9  }
0x78: {  	vm1 =	vgt.f32 v8, v6  }
0x79: {  	v8 =	vsel vm1, v8, v6;
	v12 =	vmin.f32 v12, v9  }
0x7a: {  	[tilespmem:s25+$0xFFFFFFF0] =	vst v12;
	vm2 =	vgt.f32 v12, v8  }
0x7b: {  	v6 =	vld [tilespmem:s24+$0x0]  }
0x7c: {  	v9 =	vld [tilespmem:s26+$0x0];
	_ =	sdelay $0x1  }
0x7d: {  	v10 =	vld [tilespmem:s28+$0x0];
	_ =	sdelay $0x1  }
0x7e: {  	v6 =	vsub.f32 v6, v3  }
0x7f: {  	v9 =	vsub.f32 v9, v4;
	_ =	sdelay $0x1  }
0x80: {  	v6 =	vmul.f32 v6, v6;
	v10 =	vsub.f32 v10, v5;
	v9 =	vmul.f32 v9, v9  }
0x81: {  	v11 =	vld [tilespmem:s25+$0x0]  }
0x82: {  	v6 =	vadd.f32 v9, v6;
	v10 =	vmul.f32 v10, v10;
	v9 =	vld [tilespmem:s25+$0x10];
	_ =	sdelay $0x1  }
0x83: {  	v6 =	vadd.f32 v10, v6;
	_ =	sdelay $0x1  }
0x84: {  	v6 =	vmin.f32 v11, v6  }
0x85: {  	[tilespmem:s25+$0x0] =	vst v6  }
.Ltmp2:
0x86: {  	v10 =	vld [tilespmem:s24+$0x10];
	s24 =	smov.u32 s1;
	(pc) =	sbr.rel @p0 .LBB2_6-.Ltmp2, $4  }
0x87: {  	v11 =	vld [tilespmem:s26+$0x10];
	s26 =	smov.u32 s29  }
0x88: {  	s16 =	sadd.s32 $0x1, s21;
	v7 =	vsel vm1, s21, v7;
	v8 =	vsel vm2, v12, v8;
	v12 =	vld [tilespmem:s28+$0x10];
	s28 =	smov.u32 s30  }
0x89: {  	v7 =	vsel vm2, s16, v7;
	s16 =	sadd.s32 $0x2, s21;
	s21 =	smov.u32 s15;
	vm1 =	vgt.f32 v6, v8  }
0x8a: {  	s1 =	sadd.s32 $0x40, s1;
	v7 =	vsel vm1, s16, v7  }
0x8b: {  	_ = 	snop  }
0x8c: {  	v10 =	vsub.f32 v10, v3;
	v11 =	vsub.f32 v11, v4;
	_ =	sdelay $0x1  }
0x8d: {  	v12 =	vsub.f32 v12, v5;
	v10 =	vmul.f32 v10, v10;
	v11 =	vmul.f32 v11, v11;
	_ =	sdelay $0x1  }
0x8e: {  	v12 =	vmul.f32 v12, v12;
	v10 =	vadd.f32 v11, v10;
	_ =	sdelay $0x1  }
0x8f: {  	v10 =	vadd.f32 v12, v10;
	_ =	sdelay $0x1  }
0x90: {  	v9 =	vmin.f32 v9, v10  }
0x91: {  	[tilespmem:s25+$0x10] =	vst v9  }
0x92: {  	v37 =	vld [tilespmem:s26+$0xFFFFFFE0]  }
0x93: {  	v38 =	vld [tilespmem:s24+$0xFFFFFFE0];
	_ =	sdelay $0x1  }
0x94: {  	v39 =	vld [tilespmem:s28+$0xFFFFFFE0];
	_ =	sdelay $0x2  }
0x95: {  	v10 =	vsub.f32 v37, v4;
	v11 =	vsub.f32 v38, v3;
	_ =	sdelay $0x1  }
0x96: {  	v12 =	vsub.f32 v39, v5;
	v11 =	vmul.f32 v11, v11;
	v10 =	vmul.f32 v10, v10  }
0x97: {  	v13 =	vld [tilespmem:s22+$0xFFFFFFE0]  }
0x98: {  	v40 =	vmul.f32 v12, v12;
	v10 =	vadd.f32 v10, v11;
	_ =	sdelay $0x1  }
0x99: {  	v10 =	vadd.f32 v40, v10;
	_ =	sdelay $0x1  }
0x9a: {  	v10 =	vmin.f32 v13, v10  }
0x9b: {  	[tilespmem:s22+$0xFFFFFFE0] =	vst v10  }
0x9c: {  	v41 =	vld [tilespmem:s24+$0xFFFFFFF0]  }
0x9d: {  	v42 =	vld [tilespmem:s26+$0xFFFFFFF0];
	_ =	sdelay $0x1  }
0x9e: {  	v43 =	vld [tilespmem:s28+$0xFFFFFFF0];
	_ =	sdelay $0x2  }
0x9f: {  	v11 =	vsub.f32 v41, v3;
	v12 =	vsub.f32 v42, v4;
	_ =	sdelay $0x1  }
0xa0: {  	v13 =	vsub.f32 v43, v5;
	v11 =	vmul.f32 v11, v11;
	v12 =	vmul.f32 v12, v12  }
0xa1: {  	v14 =	vld [tilespmem:s22+$0xFFFFFFF0]  }
0xa2: {  	v44 =	vmul.f32 v13, v13;
	v11 =	vadd.f32 v12, v11;
	_ =	sdelay $0x1  }
0xa3: {  	v11 =	vadd.f32 v44, v11;
	_ =	sdelay $0x1  }
0xa4: {  	v11 =	vmin.f32 v14, v11  }
0xa5: {  	[tilespmem:s22+$0xFFFFFFF0] =	vst v11  }
0xa6: {  	v45 =	vld [tilespmem:s24+$0x0]  }
0xa7: {  	v46 =	vld [tilespmem:s26+$0x0];
	_ =	sdelay $0x1  }
0xa8: {  	v47 =	vld [tilespmem:s28+$0x0];
	_ =	sdelay $0x2  }
0xa9: {  	v12 =	vsub.f32 v45, v3;
	v13 =	vsub.f32 v46, v4;
	_ =	sdelay $0x1  }
0xaa: {  	v14 =	vsub.f32 v47, v5;
	v12 =	vmul.f32 v12, v12;
	v13 =	vmul.f32 v13, v13  }
0xab: {  	v15 =	vld [tilespmem:s22+$0x0]  }
0xac: {  	v48 =	vmul.f32 v14, v14;
	v12 =	vadd.f32 v13, v12;
	_ =	sdelay $0x1  }
0xad: {  	v12 =	vadd.f32 v48, v12;
	_ =	sdelay $0x1  }
0xae: {  	v12 =	vmin.f32 v15, v12  }
0xaf: {  	[tilespmem:s22+$0x0] =	vst v12  }
0xb0: {  	v50 =	vld [tilespmem:s24+$0x10]  }
0xb1: {  	v51 =	vld [tilespmem:s26+$0x10];
	_ =	sdelay $0x1  }
0xb2: {  	v16 =	vld [tilespmem:s28+$0x10];
	_ =	sdelay $0x1  }
0xb3: {  	v6 =	vsel vm1, v6, v8  }
0xb4: {  	vm1 =	vgt.f32 v9, v6;
	v3 =	vsub.f32 v50, v3;
	v52 =	vsub.f32 v51, v4  }
0xb5: {  	v6 =	vsel vm1, v9, v6  }
0xb6: {  	v53 =	vsub.f32 v16, v5;
	v3 =	vmul.f32 v3, v3;
	v4 =	vmul.f32 v52, v52  }
0xb7: {  	v49 =	vld [tilespmem:s22+$0x10];
	vm2 =	vgt.f32 v10, v6  }
0xb8: {  	v6 =	vsel vm2, v10, v6;
	v5 =	vmul.f32 v53, v53;
	v3 =	vadd.f32 v4, v3  }
0xb9: {  	vm3 =	vgt.f32 v11, v6  }
0xba: {  	v54 =	vsel vm3, v11, v6;
	v3 =	vadd.f32 v5, v3  }
0xbb: {  	vm4 =	vgt.f32 v12, v54  }
0xbc: {  	v4 =	vsel vm4, v12, v54;
	v3 =	vmin.f32 v49, v3  }
0xbd: {  	vm5 =	vgt.f32 v3, v4  }
0xbe: {  	v4 =	vsel vm5, v3, v4  }
0xbf: {  	(xrf0) =	vmax.scan.msk.f32 $0xffff, v4;
	_ =	sdelay $0x2  }
0xc0: {  	v55 =	vsel vm1, s23, v7  }
0xc1: {  	s0 =	sadd.s32 $0x1, s21;
	v5 =	vsel vm2, s21, v55  }
0xc2: {  	s28 =	sadd.s32 $0x2, s21;
	v5 =	vsel vm3, s0, v5  }
0xc3: {  	s1 =	sadd.s32 $0x3, s21;
	v5 =	vsel vm4, s28, v5;
	v56, _, _ =	vpop (xrf0)  }
0xc4: {  	v5 =	vsel vm5, s1, v5;
	v6 =	vbroadcast v56, $0xF  }
0xc5: {  	v5 =	vshll.u32 v5, $0x4  }
0xc6: {  	v57 =	vxor.u32 v2, v5;
	vm1 =	veq.f32 v4, v6  }
0xc7: {  	v4 =	vnsel vm1, $0xFFFFFFFF, v57  }
0xc8: {  	(xrf0) =	vmin.scan.msk.u32 $0xffff, v4;
	_ =	sdelay $0x5  }
0xc9: {  	v4, _, _ =	vpop (xrf0)  }
0xca: {  	(v2sf) =	vpush v4, $0xF;
	_ =	sdelay $0xe  }
0xcb: {  	s29 =	spop (v2sf)  }
0xcc: {  	s0 =	sxor.u32 $0x80000000, s29  }
0xcd: {  	v58 =	vmov s0;
	_ =	sdelay $0x3  }
0xce: {  	[tilespmem:s22+$0x10] =	vst v3  }
0xcf: {  	v3 =	vld.idx.msk [tilespmem:v58+s2+$0x0], $0xffff  }
0xd0: {  	v59 =	vld.idx.msk [tilespmem:v58+s13+$0x0], $0xffff  }
0xd1: {  	v4 =	vld.idx.msk [tilespmem:v58+s14+$0x0], $0xffff;
	_ =	sdelay $0x2  }
0xd2: {  	(v2sf) =	vpush v3, $0x0  }
0xd3: {  	(v2sf) =	vpush v59, $0x0  }
0xd4: {  	(v2sf) =	vpush v4, $0x0;
	_ =	sdelay $0x4  }
0xd5: {  	s20 =	sadd.s32 $0x1, s20  }
0xd6: {  	s30 =	sand.u32 $0x3F0, s20  }
0xd7: {  	v60 =	vld [tilespmem:s30+$0x8000]  }
0xd8: {  	v61 =	vld [tilespmem:s30+$0x8200]  }
0xd9: {  	s31 =	sand.u32 $0xF, s20;
	v62 =	vld [tilespmem:s30+$0x8400]  }
0xda: {  	p0 =	sne.s32 s20, $0x1FF;
	v63 =	vmov s31  }
.Ltmp3:
0xdb: {  	vm1 =	veq.s32 v63, v0;
	(pc) =	sbr.rel @p0 .LBB2_5-.Ltmp3, $4  }
0xdc: {  	v3 =	vsel vm1, v3, v60  }
0xdd: {  	[tilespmem:s30+$0x8000] =	vst v3;
	v3 =	vsel vm1, v59, v61;
	s0 =	spop (v2sf)  }
0xde: {  	[tilespmem:s30+$0x8200] =	vst v3;
	v3 =	vsel vm1, v4, v62;
	s21 =	spop (v2sf)  }
0xdf: {  	[tilespmem:s30+$0x8400] =	vst v3;
	s22 =	spop (v2sf)  }
0xe0: {  	s0 =	simm.s32 $0x8000  }
0xe1: {  	[hbm4b:s5+s10] =	stream.strided.scatter [tilespmem:s0], [sflag:$0x1], $0x200, s11, s10, $0x38;
	[tilespmem:$0x8600] =	vst v63  }
0xe2: {  	_ =	swait.ge [sflag:s12], $0x200  }
0xe3: {  	[sflag:s12] =	ssyncset.done $0x0  }
0xe4: {  	s31 =	simm.s32 $0x8200;
	[sflag:s12] =	ssyncadd.s32 $0xFFFFFE00  }
0xe5: {  	[hbm4b:s6+s10] =	stream.strided.scatter [tilespmem:s31], [sflag:$0x1], $0x200, s11, s10, $0x38;
	[tilespmem:$0x8600] =	vst v63  }
0xe6: {  	s18 =	sadd.s32 $0x1, s18;
	_ =	swait.ge [sflag:s12], $0x200  }
0xe7: {  	p0 =	sne.s32 s18, s9;
	[sflag:s12] =	ssyncset.done $0x0  }
.Ltmp4:
0xe8: {  	[sflag:s12] =	ssyncadd.s32 $0xFFFFFE00;
	(pc) =	sbr.rel @p0 .LBB2_2-.Ltmp4, $4  }
0xe9: {  	[hbm4b:s7+s10] =	stream.strided.scatter [tilespmem:s17], [sflag:$0x1], $0x200, s11, s10, $0x38;
	[tilespmem:$0x8600] =	vst v63  }
0xea: {  	_ =	swait.ge [sflag:s12], $0x200  }
0xeb: {  	[sflag:s12] =	ssyncset.done $0x0  }
0xec: {  	[sflag:s12] =	ssyncadd.s32 $0xFFFFFE00  }
.LBB2_9:
0xed: {  	_ =	sfence.sel $0x180000  }
0xee: {  	[bflag:$0x0] =	sbarrier.arrive $0xFFFF  }
0xef: {  	_ =	strace $0x90000047  }
0xf0: {  	s0 =	stileid.u32;
	[bflag:$0x2] =	sbarrier.arrive $0xFFFF  }
0xf1: {  	p0 =	sne.s32 s0, $0x0;
	s0 =	rddreg [dreg:$0x2]  }
0xf2: {  	s0 =	sadd.s32 @!p0 $0x100000, s0  }
0xf3: {  	[sflag:s0] =	ssyncadd.tile.s32 @!p0 $0x1;
	_ =	shalt  }
.Lfunc_end2:
_tile_overlayer_lowered:
.L_overlay_start_2:
0xf4: {  	(tag) =	ssettag $0x2  }
0xf5: {  	s0 =	rddreg [dreg:$0x0];
	s2 =	stileid.u32  }
0xf6: {  	s1 =	rddreg [dreg:$0x1];
	p0 =	sne.s32 s2, $0x0  }
0xf7: {  	s3 =	rddreg [dreg:$0x2];
	[bflag:$0x3] =	sbarrier.arrive $0xFFFF;
	s2 =	simm.s32 @!p0 $0x1C01  }
0xf8: {  	[timem:s3], [sflag:s2] =	dma.local @!p0 [hbm:s0], s1  }
0xf9: {  	s0 =	simm.s32 @!p0 $0x1  }
0xfa: {  	_ =	swait.ge @!p0 [sflag:s0], s1  }
0xfb: {  	s1 =	ssub.s32 @!p0 $0x0, s1;
	[sflag:s0] =	ssyncset.done @!p0 $0x0  }
0xfc: {  	[sflag:s0] =	ssyncadd.s32 @!p0 s1  }
0xfd: {  	[bflag:$0x3] =	sbarrier.arrive $0xFFFF  }
0xfe: {  	_ =	shalt  }

// kernel: kernel.7.cloned.1.call-start
scs
__scs_entry_jumppad:
0x0: {  	(pc) =	sbr.rel $0x88, $3  }
0x1: {  	(tag) =	ssettag $0x0;
	lr =	simm.s32 $0x1  }
0x2: {  	[smem:$0x3FA0] =	sst lr;
	_ =	strace $0xD0000000  }
0x3: {  	_ = 	snop  }
0x4: {  	_ = 	snop  }
0x5: {  	_ = 	snop  }
0x6: {  	_ = 	snop  }
0x7: {  	_ = 	snop  }
__scs_overlays_trampoline_lowered:
0x8: {  	[smem:$0x3FAF] =	sst s0  }
0x9: {  	[smem:$0x3FB0] =	sst s1  }
0xa: {  	[smem:$0x3FB1] =	sst s2  }
0xb: {  	[smem:$0x3FB2] =	sst s3  }
0xc: {  	[smem:$0x3FB3] =	sst s4  }
0xd: {  	[smem:$0x3FB4] =	sst s5  }
0xe: {  	[smem:$0x3FB5] =	sst s6  }
0xf: {  	[smem:$0x3FB6] =	sst s7  }
0x10: {  	[smem:$0x3FB7] =	sst s8  }
0x11: {  	[smem:$0x3FB8] =	sst s9;
	s0 =	simm.s32 @!p0 $0x0  }
0x12: {  	s1 =	sld [smem:$0x3F9E];
	s0 =	simm.s32 @p0 $0x1  }
0x13: {  	[smem:$0x3FB9] =	sst s0;
	s0 =	simm.s32 @!p1 $0x0  }
0x14: {  	s2 =	sld [smem:$0x3F9D];
	s0 =	simm.s32 @p1 $0x1  }
0x15: {  	[smem:$0x3FBA] =	sst s0;
	s0 =	simm.s32 @!p2 $0x0  }
0x16: {  	s3 =	sld [smem:$0x3FDB];
	s0 =	simm.s32 @p2 $0x1  }
0x17: {  	s4 =	simm.s32 $0x1BF5;
	[smem:$0x3FBC] =	sst s0  }
0x18: {  	s0 =	sld [smem:$0x3F9F];
	_ =	swait.ge [sflag:s4], $0x0  }
0x19: {  	s7 =	sld [smem:$0x3FA0]  }
0x1a: {  	s8 =	sadd.s32 $0xFFFFE003, lr  }
0x1b: {  	s9 =	sadd.s32 $0xFFFFFEF7, lr;
	s5 =	simm.s32 $0xFFFFFFFF;
	p2 =	slt.u32 s8, $0xFFFFF086  }
0x1c: {  	p1 =	slt.u32 s9, $0xF7A;
	s5 =	simm.s32 @!p2 $0x0  }
0x1d: {  	s5 =	simm.s32 @p1 $0x1;
	p0 =	seq.s32 s7, s2  }
0x1e: {  	s7 =	smul.u32 @!p0 $0xF7A, s2;
	p2 =	seq.s32 @!p0 s5, $0x0  }
0x1f: {  	s9 =	smul.u32 $0xF7A, s1;
	s8 =	simm.s32 @!p0 $0x1BF5;
	p2 =	por !p2, p0  }
0x20: {  	[sflag:s8] =	ssyncset.s32 @!p0 $0xFFFFF086;
	s6 =	sadd.s32 @!p0 s3, s7;
	s7 =	simm.s32 @!p0 $0x108  }
0x21: {  	s3 =	sadd.s32 s3, s9;
	s6 =	sadd.s32 @!p0 $0x88, s6;
	s7 =	simm.s32 @p2 $0x1082  }
0x22: {  	[simem:s7], [sflag:s8] =	dma.local @!p0 [hbm:s6], $0xF7A  }
0x23: {  	s9 =	sor.u32 $0xD0000000, s2;
	s6 =	simm.s32 $0x108;
	_ =	swait.ge @!p0 [sflag:s8], $0x0  }
0x24: {  	s3 =	sadd.s32 $0x88, s3;
	s6 =	simm.s32 @!p1 $0x1082;
	[sflag:s4] =	ssyncset.s32 $0xFFFFF086  }
0x25: {  	[simem:s6], [sflag:s4] =	dma.local [hbm:s3], $0xF7A  }
0x26: {  	[smem:$0x3FA0] =	sst s1;
	(tag) =	ssettag s2;
	_ =	strace s9  }
0x27: {  	s1 =	sld [smem:$0x3FB0]  }
0x28: {  	s2 =	sld [smem:$0x3FB1]  }
0x29: {  	s4 =	sld [smem:$0x3FB3]  }
0x2a: {  	p0 =	seq.s32 s5, $0x0;
	s5 =	sld [smem:$0x3FB4]  }
0x2b: {  	s6 =	sld [smem:$0x3FB5]  }
0x2c: {  	s7 =	sld [smem:$0x3FB6]  }
0x2d: {  	s3 =	simm.s32 $0x108;
	s8 =	sld [smem:$0x3FB7]  }
0x2e: {  	s3 =	simm.s32 @!p0 $0x1082;
	s9 =	sld [smem:$0x3FB8]  }
0x2f: {  	lr =	sadd.s32 s0, s3;
	s0 =	sld [smem:$0x3FAF]  }
0x30: {  	s3 =	sld [smem:$0x3FB2]  }
0x31: {  	[smem:$0x3FBB] =	sst s10  }
0x32: {  	s10 =	sld [smem:$0x3FB9];
	_ =	sdelay $0x3  }
0x33: {  	p0 =	seq.s32 s10, $0x1;
	s10 =	sld [smem:$0x3FBB];
	_ =	sdelay $0x3  }
0x34: {  	[smem:$0x3FBB] =	sst s10  }
0x35: {  	s10 =	sld [smem:$0x3FBA];
	_ =	sdelay $0x3  }
0x36: {  	p1 =	seq.s32 s10, $0x1;
	s10 =	sld [smem:$0x3FBB];
	_ =	sdelay $0x3  }
0x37: {  	[smem:$0x3FBB] =	sst s10  }
0x38: {  	s10 =	sld [smem:$0x3FBC]  }
0x39: {  	_ = 	snop;
	(pc) =	sbr.ind lr, $3  }
0x3a: {  	_ = 	snop  }
0x3b: {  	_ = 	snop  }
0x3c: {  	p2 =	seq.s32 s10, $0x1;
	s10 =	sld [smem:$0x3FBB]  }
0x3d: {  	_ =	shalt  }
0x3e: {  	_ =	shalt  }
0x3f: {  	_ =	shalt  }
0x40: {  	_ =	shalt  }
0x41: {  	_ =	shalt  }
0x42: {  	_ =	shalt  }
0x43: {  	_ =	shalt  }
0x44: {  	_ =	shalt  }
0x45: {  	_ =	shalt  }
0x46: {  	_ =	shalt  }
0x47: {  	_ =	shalt  }
0x48: {  	_ =	shalt  }
0x49: {  	_ =	shalt  }
0x4a: {  	_ =	shalt  }
0x4b: {  	_ =	shalt  }
0x4c: {  	_ =	shalt  }
0x4d: {  	_ =	shalt  }
0x4e: {  	_ =	shalt  }
0x4f: {  	_ =	shalt  }
0x50: {  	_ =	shalt  }
0x51: {  	_ =	shalt  }
0x52: {  	_ =	shalt  }
0x53: {  	_ =	shalt  }
0x54: {  	_ =	shalt  }
0x55: {  	_ =	shalt  }
0x56: {  	_ =	shalt  }
0x57: {  	_ =	shalt  }
0x58: {  	_ =	shalt  }
0x59: {  	_ =	shalt  }
0x5a: {  	_ =	shalt  }
0x5b: {  	_ =	shalt  }
0x5c: {  	_ =	shalt  }
0x5d: {  	_ =	shalt  }
0x5e: {  	_ =	shalt  }
0x5f: {  	_ =	shalt  }
0x60: {  	_ =	shalt  }
0x61: {  	_ =	shalt  }
0x62: {  	_ =	shalt  }
0x63: {  	_ =	shalt  }
0x64: {  	_ =	shalt  }
0x65: {  	_ =	shalt  }
0x66: {  	_ =	shalt  }
0x67: {  	_ =	shalt  }
0x68: {  	_ =	shalt  }
0x69: {  	_ =	shalt  }
0x6a: {  	_ =	shalt  }
0x6b: {  	_ =	shalt  }
0x6c: {  	_ =	shalt  }
0x6d: {  	_ =	shalt  }
0x6e: {  	_ =	shalt  }
0x6f: {  	_ =	shalt  }
0x70: {  	_ =	shalt  }
0x71: {  	_ =	shalt  }
0x72: {  	_ =	shalt  }
0x73: {  	_ =	shalt  }
0x74: {  	_ =	shalt  }
0x75: {  	_ =	shalt  }
0x76: {  	_ =	shalt  }
0x77: {  	_ =	shalt  }
0x78: {  	_ =	shalt  }
0x79: {  	_ =	shalt  }
0x7a: {  	_ =	shalt  }
0x7b: {  	_ =	shalt  }
0x7c: {  	_ =	shalt  }
0x7d: {  	_ =	shalt  }
0x7e: {  	_ =	shalt  }
0x7f: {  	_ =	shalt  }
0x80: {  	_ =	shalt  }
0x81: {  	_ =	shalt  }
0x82: {  	_ =	shalt  }
0x83: {  	_ =	shalt  }
0x84: {  	_ =	shalt  }
0x85: {  	_ =	shalt  }
0x86: {  	_ =	shalt  }
0x87: {  	_ =	shalt  }
.Lfunc_end0:
.L_simem_size_0:
called_computation.1_lowered:
.L_overlay_start_0:
0x88: {  	s2 =	sld [smem:$0x3FD9]  }
0x89: {  	s3 =	sld [smem:$0x3FFE];
	_ =	sdelay $0x1  }
0x8a: {  	s1 =	srdreg.scid  }
0x8b: {  	s0 =	sand.u32 $0x1, s1  }
0x8c: {  	s14 =	sshll.u32 s0, $0xA;
	s2 =	sadd.s32 s3, s2  }
0x8d: {  	s2 =	sadd.s32 s2, s14  }
0x8e: {  	[smem:$0x3FC7] =	sst s2  }
0x8f: {  	_ = 	snop  }
0x90: {  	s2 =	sld [smem:$0x3FD0];
	_ =	sdelay $0x2  }
0x91: {  	s15 =	simm.s32 $0xA;
	s4 =	simm.s32 $0x10  }
0x92: {  	[smem:s4], [sflag:s15] =	dma.local [hbm:s2], $0x1  }
0x93: {  	_ =	swait.eq [sflag:s15], $0x1  }
0x94: {  	[sflag:s15] =	ssyncset.done $0x0  }
0x95: {  	[sflag:s15] =	ssyncadd.s32 $0xFFFFFFFF  }
0x96: {  	s16 =	sld [smem:$0x10];
	(tm) =	ssettm $0x1  }
0x97: {  	s17 =	sld [smem:$0x3FFB];
	_ =	sdelay $0x3  }
0x98: {  	_ =	strace s17  }
0x99: {  	s3 =	sld [smem:$0x3FFC];
	_ =	sdelay $0x3  }
0x9a: {  	_ =	strace s3  }
0x9b: {  	s3 =	sld [smem:$0x3FFD];
	_ =	sdelay $0x3  }
0x9c: {  	_ =	strace s3  }
0x9d: {  	_ =	strace $0x8FFFFFFF  }
0x9e: {  	s18 =	sld [smem:$0x3FDB];
	_ =	sdelay $0x1  }
0x9f: {  	s19 =	simm.s32 $_scs_section_size  }
0xa0: {  	s5 =	simm.s32 $_size__tile_overlayer_lowered;
	s6 =	simm.s32 $_tile_overlayer_lowered  }
0xa1: {  	s22 =	simm.s32 $0x1BFF;
	s21 =	sshll.u32 s6, $0x1;
	s3 =	sadd.s32 s19, s18  }
0xa2: {  	s7 =	simm.s32 $0x0;
	s20 =	sshll.u32 s5, $0x1;
	s5 =	sadd.s32 s21, s3  }
0xa3: {  	[timem:s7], [sflag:s22] =	dma.local [hbm:s5], s20  }
0xa4: {  	_ =	swait.ge [sflag:s22], s20  }
0xa5: {  	s4 =	ssub.s32 $0x0, s20;
	[sflag:s22] =	ssyncset.done $0x0  }
0xa6: {  	[sflag:s22] =	ssyncadd.s32 s4;
	_ =	sdelay $0x1  }
0xa7: {  	s23 =	simm.s32 $0x1B8B  }
0xa8: {  	_ =	swait.ge [sflag:s23], $0x1  }
0xa9: {  	[sflag:s23] =	ssyncset.done $0x0  }
0xaa: {  	s25 =	simm.s32 $0x1B8E;
	s24 =	sld [smem:$0x3FFE];
	[sflag:s23] =	ssyncadd.s32 $0xFFFFFFFF  }
0xab: {  	s26 =	simm.s32 $execute0_lowered;
	[smem:$0x3FD2] =	sst s25  }
0xac: {  	s5 =	sshll.u32 s26, $0x1;
	_ =	strace $0x80000049;
	[dreg:$0x1] =	wrdreg $0xFFFFFFFF  }
0xad: {  	s28 =	simm.s32 $_size_execute0_lowered;
	s3 =	sadd.s32 s3, s5;
	[dreg:$0x0] =	wrdreg $0x0  }
0xae: {  	s5 =	sshll.u32 s28, $0x1;
	[dreg:$0x2] =	wrdreg s3  }
0xaf: {  	[dreg:$0x3] =	wrdreg s5  }
0xb0: {  	[dreg:$0x4] =	wrdreg $0xC0  }
0xb1: {  	_ =	task [dreg:s7], $0x5FFFF  }
0xb2: {  	[dreg:$0x1] =	wrdreg $0xFFFFFFFF  }
0xb3: {  	[dreg:$0x0] =	wrdreg $0x60  }
0xb4: {  	[dreg:$0x2] =	wrdreg s24  }
0xb5: {  	[dreg:$0x3] =	wrdreg s16  }
0xb6: {  	[dreg:$0x4] =	wrdreg $0x9  }
0xb7: {  	_ =	task.clear_ibuf [dreg:s7], $0x5FFFF;
	_ =	strace $0x90000049  }
0xb8: {  	s29 =	simm.s32 $0x9;
	_ =	strace $0x8000004B  }
0xb9: {  	_ =	swait.ge [sflag:s29], $0x1  }
0xba: {  	[sflag:s29] =	ssyncadd.s32 $0xFFFFFFFF  }
0xbb: {  	_ =	strace $0x9000004B  }
0xbc: {  	_ =	sfence  }
0xbd: {  	s30 =	sld [smem:$0x0];
	_ =	sdelay $0x2  }
0xbe: {  	s31 =	sshll.u32 s1, $0xD;
	s1 =	sshrl.u32 s1, $0x2  }
0xbf: {  	s3 =	sand.u32 $0x4000, s31;
	s1 =	sadd.s32 s1, s30  }
0xc0: {  	s0 =	sor.u32 s3, s0;
	s1 =	sshll.u32 s1, $0x11  }
0xc1: {  	s0 =	sor.u32 s1, s0  }
0xc2: {  	s0 =	sadd.s32 $0x8F2B, s0  }
0xc3: {  	[sflag:s0] =	ssyncadd.remote.s32 $0x1  }
0xc4: {  	_ =	sfence.sel $0xFFFF  }
0xc5: {  	[dreg:$0x0] =	wrdreg $0xFFFFFFFF;
	(pc) =	sbr.abs _section_cstart, $3  }
0xc6: {  	[dreg:$0x1] =	wrdreg $0xFFFFFFFF  }
0xc7: {  	_ =	task.clear_ibuf [dreg:s7], $0x2FFFF;
	_ =	strace $0x9FFFFFFF  }
0xc8: {  	(tm) =	ssettm $0x7FFFFFFF  }
0xc9: {  	_ =	shalt  }
tec
execute0_lowered:
.L_overlay_start_1:
0x0: {  	(tag) =	ssettag $0x1  }
0x1: {  	s0 =	srdreg.scid;
	s1 =	rddreg [dreg:$0x0]  }
0x2: {  	s5 =	rddreg [dreg:$0x1];
	s4 =	stileid.u32;
	s13 =	simm.s32 $0x80  }
0x3: {  	s14 =	simm.s32 $0x400;
	s15 =	simm.s32 $0x1;
	s16 =	simm.s32 $0x2000  }
0x4: {  	s17 =	simm.s32 $0x4000;
	s18 =	simm.s32 $0xE000;
	s19 =	simm.s32 $0xE080  }
0x5: {  	s20 =	simm.s32 $0xE100;
	s23 =	simm.s32 $0x18400;
	s0 =	sand.u32 $0x1, s0  }
0x6: {  	s24 =	simm.s32 $0x0;
	s2 =	sshll.u32 s0, $0x4;
	s0 =	ssub.s32 $0x2, s0  }
0x7: {  	s3 =	sor.u32 s4, s2;
	s2 =	simm.s32 $0x0;
	s4 =	sshll.u32 s4, $0x7  }
0x8: {  	s31 =	sshrl.u32 s0, $0x1;
	s3 =	sshrl.u32 s3, $0x2;
	[smem:$0x7FF] =	sst s2  }
0x9: {  	s4 =	sand.u32 $0x180, s4;
	s0 =	ssub.s32 s0, s31;
	s6 =	sshll.u32 s3, $0x4  }
0xa: {  	_ =	strace $0x8000004A;
	s3 =	sshll.u32 s3, $0xD;
	s12 =	smax.u32 s0, $0x1  }
0xb: {  	s7 =	sadd.s32 s6, s1;
	s8 =	sor.u32 s4, s6;
	s4 =	sshll.u32 s4, $0x4  }
0xc: {  	s5 =	sadd.s32 s5, s6;
	s8 =	sadd.s32 s8, s1;
	s3 =	sor.u32 s4, s3  }
0xd: {  	s4 =	sadd.s32 $0x1C00, s7;
	s1 =	sadd.s32 s3, s1;
	s3 =	sadd.s32 $0x3C00, s7  }
0xe: {  	v0 =	vlaneseq.u32;
	s6 =	sadd.s32 $0x5C00, s8;
	s7 =	sadd.s32 $0x5E00, s8;
	s8 =	sadd.s32 $0x6000, s8  }
0xf: {  	v1 =	vor.u32 $0x80000000, v0;
	s9 =	sadd.s32 $0x6200, s1;
	s10 =	sadd.s32 $0x16200, s1;
	s11 =	sadd.s32 $0x26200, s1  }
.LBB2_1:
0x10: {  	[tilespmem:s2], [sflag:$0x1] =	stream.strided.gather [hbm4b:s3+s13], $0x2000, s14, s13, $0x38;
	[tilespmem:$0x1C400] =	vst v63  }
0x11: {  	_ =	swait.ge [sflag:s15], $0x2000  }
0x12: {  	[sflag:s15] =	ssyncset.done $0x0  }
0x13: {  	[sflag:s15] =	ssyncadd.s32 $0xFFFFE000  }
0x14: {  	[tilespmem:s16], [sflag:$0x1] =	stream.strided.gather [hbm4b:s4+s13], $0x2000, s14, s13, $0x38;
	[tilespmem:$0x1C400] =	vst v63  }
0x15: {  	_ =	swait.ge [sflag:s15], $0x2000  }
0x16: {  	[sflag:s15] =	ssyncset.done $0x0  }
0x17: {  	[sflag:s15] =	ssyncadd.s32 $0xFFFFE000  }
0x18: {  	[tilespmem:s17], [sflag:$0x1] =	stream.strided.gather [hbm4b:s5+s13], $0x2000, s14, s13, $0x38;
	[tilespmem:$0x1C400] =	vst v63  }
0x19: {  	_ =	swait.ge [sflag:s15], $0x2000  }
0x1a: {  	[sflag:s15] =	ssyncset.done $0x0  }
0x1b: {  	[sflag:s15] =	ssyncadd.s32 $0xFFFFE000  }
0x1c: {  	[tilespmem:s18], [sflag:$0x1] =	stream.linear.gather [hbm4b:s6+s2], $0x80, $0x38;
	[tilespmem:$0x1C400] =	vst v63  }
0x1d: {  	_ =	swait.ge [sflag:s15], $0x80  }
0x1e: {  	[sflag:s15] =	ssyncset.done $0x0  }
0x1f: {  	[sflag:s15] =	ssyncadd.s32 $0xFFFFFF80  }
0x20: {  	[tilespmem:s19], [sflag:$0x1] =	stream.linear.gather [hbm4b:s7+s2], $0x80, $0x38;
	[tilespmem:$0x1C400] =	vst v63  }
0x21: {  	_ =	swait.ge [sflag:s15], $0x80  }
0x22: {  	[sflag:s15] =	ssyncset.done $0x0  }
0x23: {  	[sflag:s15] =	ssyncadd.s32 $0xFFFFFF80  }
0x24: {  	[tilespmem:s20], [sflag:$0x1] =	stream.linear.gather [hbm4b:s8+s2], $0x80, $0x38;
	[tilespmem:$0x1C400] =	vst v63  }
0x25: {  	_ =	swait.ge [sflag:s15], $0x80  }
0x26: {  	[sflag:s15] =	ssyncset.done $0x0  }
0x27: {  	s0 =	simm.s32 $0x10;
	[sflag:s15] =	ssyncadd.s32 $0xFFFFFF80  }
0x28: {  	s1 =	simm.s32 $0x2010;
	v2 =	vld [tilespmem:s0+$0xFFFFFFF0]  }
0x29: {  	v3 =	vld [tilespmem:s1+$0xFFFFFFF0]  }
0x2a: {  	s21 =	simm.s32 $0x4010  }
0x2b: {  	v4 =	vld [tilespmem:s21+$0xFFFFFFF0];
	_ =	sdelay $0x2  }
0x2c: {  	v5 =	vmul.f32 v2, v2;
	v6 =	vmul.f32 v3, v3;
	_ =	sdelay $0x1  }
0x2d: {  	v7 =	vshrl.u32 v2, $0x10;
	v56 =	vmul.f32 v4, v4;
	v5 =	vadd.f32 v6, v5  }
0x2e: {  	v57 =	vshrl.u32 v3, $0x10;
	v8 =	vshrl.u32 v4, $0x10;
	v7 =	vand.u32 $0x1, v7  }
0x2f: {  	v2 =	vadd.s32 v7, v2;
	v7 =	vand.u32 $0x1, v57;
	v5 =	vadd.f32 v56, v5  }
0x30: {  	s22 =	simm.s32 $0xC010;
	v58 =	vand.u32 $0x1, v8;
	v2 =	vadd.s32 $0x7FFF, v2;
	v3 =	vadd.s32 v7, v3  }
0x31: {  	s25 =	simm.s32 $0x6010;
	v4 =	vadd.s32 v58, v4;
	v3 =	vadd.s32 $0x7FFF, v3;
	v2 =	vand.u32 $0xFFFF0000, v2;
	[tilespmem:s22+$0xFFFFFFF0] =	vst v5  }
0x32: {  	s26 =	simm.s32 $0x8010;
	v4 =	vadd.s32 $0x7FFF, v4;
	[tilespmem:s25+$0xFFFFFFF0] =	vst v2;
	v2 =	vand.u32 $0xFFFF0000, v3  }
0x33: {  	s28 =	simm.s32 $0xA010;
	[tilespmem:s26+$0xFFFFFFF0] =	vst v2;
	v2 =	vand.u32 $0xFFFF0000, v4  }
0x34: {  	[tilespmem:s28+$0xFFFFFFF0] =	vst v2  }
0x35: {  	v2 =	vld [tilespmem:s0+$0x0]  }
0x36: {  	v3 =	vld [tilespmem:s1+$0x0];
	_ =	sdelay $0x1  }
0x37: {  	v4 =	vld [tilespmem:s21+$0x0];
	_ =	sdelay $0x2  }
0x38: {  	v5 =	vmul.f32 v2, v2;
	v59 =	vmul.f32 v3, v3  }
0x39: {  	v60 =	vshrl.u32 v2, $0x10  }
0x3a: {  	v61 =	vmul.f32 v4, v4;
	v63 =	vshrl.u32 v4, $0x10;
	v5 =	vadd.f32 v59, v5  }
0x3b: {  	v62 =	vshrl.u32 v3, $0x10;
	v7 =	vand.u32 $0x1, v60;
	v8 =	vand.u32 $0x1, v63  }
0x3c: {  	v2 =	vadd.s32 v7, v2;
	v7 =	vand.u32 $0x1, v62;
	v5 =	vadd.f32 v61, v5  }
0x3d: {  	s29 =	simm.s32 $0x0;
	v4 =	vadd.s32 v8, v4;
	v2 =	vadd.s32 $0x7FFF, v2;
	v3 =	vadd.s32 v7, v3  }
0x3e: {  	s30 =	simm.s32 $0x2030;
	s31 =	simm.s32 $0x30;
	s0 =	simm.s32 $0x6030;
	v4 =	vadd.s32 $0x7FFF, v4;
	v3 =	vadd.s32 $0x7FFF, v3;
	[tilespmem:s22+$0x0] =	vst v5;
	v5 =	vand.u32 $0xFFFF0000, v2  }
0x3f: {  	s1 =	simm.s32 $0xC030;
	s21 =	simm.s32 $0xA010;
	v3 =	vand.u32 $0xFFFF0000, v3;
	v2 =	vand.u32 $0xFFFF0000, v4;
	s22 =	simm.s32 $0x4030;
	[tilespmem:s25+$0x0] =	vst v5  }
.LBB2_2:
0x40: {  	s29 =	sadd.s32 $0x2, s29;
	[tilespmem:s26+$0x0] =	vst v3;
	s28 =	sadd.s32 $0x20, s28;
	s26 =	sadd.s32 $0x20, s26  }
0x41: {  	p0 =	slt.u32 s29, $0x1FE;
	[tilespmem:s21+$0x0] =	vst v2;
	s21 =	smov.u32 s28  }
0x42: {  	v2 =	vld [tilespmem:s31+$0xFFFFFFF0]  }
0x43: {  	v3 =	vld [tilespmem:s30+$0xFFFFFFF0];
	_ =	sdelay $0x1  }
0x44: {  	v4 =	vld [tilespmem:s22+$0xFFFFFFF0];
	_ =	sdelay $0x1  }
0x45: {  	v5 =	vshrl.u32 v2, $0x10  }
0x46: {  	v6 =	vmul.f32 v2, v2;
	v7 =	vmul.f32 v3, v3;
	v5 =	vand.u32 $0x1, v5  }
0x47: {  	v2 =	vadd.s32 v5, v2;
	v5 =	vshrl.u32 v3, $0x10  }
0x48: {  	v6 =	vadd.f32 v7, v6;
	v7 =	vmul.f32 v4, v4;
	v5 =	vand.u32 $0x1, v5  }
0x49: {  	v2 =	vadd.s32 $0x7FFF, v2;
	v3 =	vadd.s32 v5, v3;
	v5 =	vshrl.u32 v4, $0x10  }
0x4a: {  	v6 =	vadd.f32 v7, v6;
	v3 =	vadd.s32 $0x7FFF, v3;
	v5 =	vand.u32 $0x1, v5  }
0x4b: {  	v4 =	vadd.s32 v5, v4  }
0x4c: {  	v2 =	vand.u32 $0xFFFF0000, v2;
	[tilespmem:s1+$0xFFFFFFF0] =	vst v6;
	v4 =	vadd.s32 $0x7FFF, v4  }
0x4d: {  	[tilespmem:s0+$0xFFFFFFF0] =	vst v2;
	v2 =	vand.u32 $0xFFFF0000, v3  }
0x4e: {  	[tilespmem:s26+$0xFFFFFFF0] =	vst v2;
	v2 =	vand.u32 $0xFFFF0000, v4  }
0x4f: {  	[tilespmem:s28+$0xFFFFFFF0] =	vst v2  }
0x50: {  	v2 =	vld [tilespmem:s31+$0x0]  }
0x51: {  	v3 =	vld [tilespmem:s30+$0x0];
	_ =	sdelay $0x1  }
0x52: {  	v4 =	vld [tilespmem:s22+$0x0];
	_ =	sdelay $0x1  }
0x53: {  	v5 =	vshrl.u32 v2, $0x10  }
0x54: {  	v6 =	vmul.f32 v2, v2;
	v7 =	vmul.f32 v3, v3;
	v5 =	vand.u32 $0x1, v5  }
0x55: {  	v2 =	vadd.s32 v5, v2;
	v5 =	vshrl.u32 v3, $0x10  }
0x56: {  	v6 =	vadd.f32 v7, v6;
	v7 =	vmul.f32 v4, v4;
	v8 =	vshrl.u32 v4, $0x10  }
.Ltmp0:
0x57: {  	v2 =	vadd.s32 $0x7FFF, v2;
	v5 =	vand.u32 $0x1, v5;
	v8 =	vand.u32 $0x1, v8;
	(pc) =	sbr.rel @p0 .LBB2_2-.Ltmp0, $4  }
0x58: {  	v3 =	vadd.s32 v5, v3;
	v6 =	vadd.f32 v7, v6;
	v4 =	vadd.s32 v8, v4  }
0x59: {  	v3 =	vadd.s32 $0x7FFF, v3;
	v4 =	vadd.s32 $0x7FFF, v4  }
0x5a: {  	s25 =	simm.s32 $0x0;
	s31 =	sadd.s32 $0x20, s31;
	s30 =	sadd.s32 $0x20, s30;
	v5 =	vand.u32 $0xFFFF0000, v2;
	[tilespmem:s1+$0x0] =	vst v6;
	v2 =	vand.u32 $0xFFFF0000, v4  }
0x5b: {  	s22 =	sadd.s32 $0x20, s22;
	v3 =	vand.u32 $0xFFFF0000, v3;
	s1 =	sadd.s32 $0x20, s1;
	[tilespmem:s0+$0x0] =	vst v5;
	s0 =	sadd.s32 $0x20, s0  }
0x5c: {  	[tilespmem:s26+$0x0] =	vst v3  }
0x5d: {  	[tilespmem:s21+$0x0] =	vst v2  }
.LBB2_4:
0x5e: {  	v2 =	vmov s25;
	_ =	sdelay $0x4  }
0x5f: {  	v4 =	vld.idx.msk [tilespmem:v2+s18+$0x0], $0xffff  }
0x60: {  	v3 =	vld.idx.msk [tilespmem:v2+s19+$0x0], $0xffff;
	_ =	sdelay $0x1  }
0x61: {  	v2 =	vld.idx.msk [tilespmem:v2+s20+$0x0], $0xffff;
	_ =	sdelay $0x2  }
0x62: {  	v5 =	vmul.f32 v4, v4;
	v6 =	vmul.f32 v3, v3;
	_ =	sdelay $0x1  }
0x63: {  	v5 =	vadd.f32 v6, v5;
	v6 =	vmul.f32 v2, v2  }
0x64: {  	v7 =	vshrl.u32 v3, $0x10  }
0x65: {  	v8 =	vshrl.u32 v2, $0x10;
	v5 =	vadd.f32 v6, v5;
	v6 =	vshrl.u32 v4, $0x10  }
0x66: {  	v7 =	vand.u32 $0x1, v7;
	v8 =	vand.u32 $0x1, v8;
	v6 =	vand.u32 $0x1, v6  }
0x67: {  	v7 =	vadd.s32 v7, v3;
	v8 =	vadd.s32 v8, v2;
	v6 =	vadd.s32 v6, v4  }
0x68: {  	v7 =	vadd.s32 $0x7FFF, v7;
	v8 =	vadd.s32 $0x7FFF, v8;
	v6 =	vadd.s32 $0x7FFF, v6  }
0x69: {  	s28 =	simm.s32 $0x0;
	v7 =	vand.u32 $0xFFFF0000, v7;
	v8 =	vand.u32 $0xFFFF0000, v8;
	v6 =	vand.u32 $0xFFFF0000, v6  }
.LBB2_5:
0x6a: {  	s0 =	sshll.u32 s28, $0x8;
	s1 =	simm.s32 $0x0  }
0x6b: {  	s26 =	sor.u32 s1, s0  }
0x6c: {  	v9 =	vld [tilespmem:s26+$0xC030]  }
0x6d: {  	v14 =	vld [tilespmem:s26+$0xC020]  }
0x6e: {  	v12 =	vld [tilespmem:s26+$0xC010]  }
0x6f: {  	v13 =	vld [tilespmem:s26+$0xC000]  }
0x70: {  	v17 =	vld [tilespmem:s26+$0xA010]  }
0x71: {  	v11 =	vld [tilespmem:s26+$0x6030]  }
0x72: {  	v20 =	vld [tilespmem:s26+$0xA000]  }
0x73: {  	v15 =	vld [tilespmem:s26+$0x6020]  }
0x74: {  	v16 =	vld [tilespmem:s26+$0x6010]  }
0x75: {  	v22 =	vld [tilespmem:s26+$0x6000]  }
0x76: {  	v24 =	vld [tilespmem:s26+$0x8000]  }
0x77: {  	v23 =	vld [tilespmem:s26+$0x8010]  }
0x78: {  	v19 =	vld [tilespmem:s26+$0x8020]  }
0x79: {  	v10 =	vimm.f32 $+Inf;
	v18 =	vld [tilespmem:s26+$0x8030];
	v9 =	vadd.f32 v9, v5  }
0x7a: {  	s21 =	simm.s32 $0x40;
	s1 =	simm.s32 $0x0;
	v21 =	vld [tilespmem:s26+$0xA020];
	v20 =	vmul.f32 v8, v20;
	v17 =	vmul.f32 v8, v17;
	v14 =	vadd.f32 v14, v5  }
.LBB2_6:
0x7b: {  	s22 =	sor.u32 s21, s0;
	v22 =	vmul.f32 v6, v22;
	v24 =	vmul.f32 v7, v24;
	v25 =	vadd.f32 v12, v5;
	v26 =	vld [tilespmem:s26+$0xA030]  }
0x7c: {  	v28 =	vadd.f32 v13, v5;
	v13 =	vmul.f32 v6, v16;
	v27 =	vld [tilespmem:s22+$0xC030];
	v16 =	vmul.f32 v7, v23  }
0x7d: {  	v15 =	vmul.f32 v6, v15;
	v29 =	vld [tilespmem:s22+$0xC020];
	v22 =	vadd.f32 v24, v22;
	v19 =	vmul.f32 v7, v19  }
0x7e: {  	v11 =	vmul.f32 v6, v11;
	v12 =	vld [tilespmem:s22+$0xC010];
	v16 =	vadd.f32 v16, v13;
	v18 =	vmul.f32 v7, v18  }
0x7f: {  	v13 =	vld [tilespmem:s22+$0xC000];
	v20 =	vadd.f32 v20, v22;
	v15 =	vadd.f32 v19, v15;
	v19 =	vmul.f32 v8, v21  }
0x80: {  	v21 =	vld [tilespmem:s22+$0xA010];
	v16 =	vadd.f32 v17, v16;
	v17 =	vadd.f32 v18, v11;
	v18 =	vmul.f32 v8, v26  }
0x81: {  	v11 =	vld [tilespmem:s22+$0x6030];
	v20 =	vadd.f32 v20, v20;
	v19 =	vadd.f32 v19, v15  }
0x82: {  	v26 =	vld [tilespmem:s22+$0xA000];
	v22 =	vadd.f32 v16, v16;
	v17 =	vadd.f32 v18, v17  }
0x83: {  	v15 =	vld [tilespmem:s22+$0x6020];
	v18 =	vsub.f32 v28, v20;
	v19 =	vadd.f32 v19, v19  }
0x84: {  	s1 =	sadd.s32 $0x4, s1;
	v16 =	vld [tilespmem:s22+$0x6010];
	v20 =	vsub.f32 v25, v22;
	v17 =	vadd.f32 v17, v17  }
0x85: {  	p0 =	slt.u32 s1, $0xC;
	v22 =	vld [tilespmem:s22+$0x6000];
	[tilespmem:s26+$0xE180] =	vst v18;
	v10 =	vmin.f32 v10, v18;
	v14 =	vsub.f32 v14, v19  }
.Ltmp1:
0x86: {  	v24 =	vld [tilespmem:s22+$0x8000];
	[tilespmem:s26+$0xE190] =	vst v20;
	v10 =	vmin.f32 v10, v20;
	v9 =	vsub.f32 v9, v17;
	(pc) =	sbr.rel @p0 .LBB2_6-.Ltmp1, $4  }
0x87: {  	v23 =	vld [tilespmem:s22+$0x8010];
	[tilespmem:s26+$0xE1A0] =	vst v14;
	v10 =	vmin.f32 v10, v14  }
0x88: {  	v19 =	vld [tilespmem:s22+$0x8020];
	[tilespmem:s26+$0xE1B0] =	vst v9;
	v10 =	vmin.f32 v10, v9;
	s26 =	smov.u32 s22  }
0x89: {  	v9 =	vadd.f32 v27, v5;
	v18 =	vld [tilespmem:s26+$0x8030]  }
0x8a: {  	s21 =	sadd.s32 $0x40, s21;
	v17 =	vmul.f32 v8, v21;
	v20 =	vmul.f32 v8, v26;
	v14 =	vadd.f32 v29, v5;
	v21 =	vld [tilespmem:s26+$0xA020]  }
0x8b: {  	v22 =	vmul.f32 v6, v22;
	v24 =	vmul.f32 v7, v24;
	v12 =	vadd.f32 v12, v5;
	v25 =	vld [tilespmem:s26+$0xA030]  }
0x8c: {  	v13 =	vadd.f32 v13, v5;
	v16 =	vmul.f32 v6, v16;
	v23 =	vmul.f32 v7, v23  }
0x8d: {  	v15 =	vmul.f32 v6, v15;
	v22 =	vadd.f32 v24, v22;
	v19 =	vmul.f32 v7, v19  }
0x8e: {  	v11 =	vmul.f32 v6, v11;
	v16 =	vadd.f32 v23, v16;
	v18 =	vmul.f32 v7, v18  }
0x8f: {  	v20 =	vadd.f32 v20, v22;
	v15 =	vadd.f32 v19, v15;
	v60 =	vmul.f32 v8, v21  }
0x90: {  	v16 =	vadd.f32 v17, v16;
	v11 =	vadd.f32 v18, v11;
	v61 =	vmul.f32 v8, v25  }
0x91: {  	v62 =	vadd.f32 v20, v20;
	v15 =	vadd.f32 v60, v15  }
0x92: {  	v16 =	vadd.f32 v16, v16;
	v11 =	vadd.f32 v61, v11  }
0x93: {  	s0 =	sshll.u32 s28, $0x4;
	s28 =	sadd.s32 $0x1, s28;
	v13 =	vsub.f32 v13, v62;
	v15 =	vadd.f32 v15, v15  }
0x94: {  	p0 =	sne.s32 s28, $0x20;
	v12 =	vsub.f32 v12, v16;
	v11 =	vadd.f32 v11, v11  }
.Ltmp2:
0x95: {  	[tilespmem:s26+$0xE180] =	vst v13;
	v10 =	vmin.f32 v10, v13;
	v63 =	vsub.f32 v14, v15;
	(pc) =	sbr.rel @p0 .LBB2_5-.Ltmp2, $4  }
0x96: {  	[tilespmem:s26+$0xE190] =	vst v12;
	v10 =	vmin.f32 v10, v12;
	v9 =	vsub.f32 v9, v11  }
0x97: {  	[tilespmem:s26+$0xE1A0] =	vst v63;
	v10 =	vmin.f32 v10, v63  }
0x98: {  	s0 =	sand.u32 $0x3FFFFFF0, s0;
	[tilespmem:s26+$0xE1B0] =	vst v9;
	v9 =	vmin.f32 v10, v9  }
0x99: {  	s26 =	simm.s32 $0x0;
	[tilespmem:s0+$0x10180] =	vst v9  }
0x9a: {  	s28 =	simm.s32 $0x0  }
.LBB2_9:
0x9b: {  	s0 =	simm.s32 $0x101A0  }
0x9c: {  	v5 =	vld [tilespmem:s0+$0xFFFFFFE0];
	_ =	sdelay $0x1  }
0x9d: {  	v8 =	vld [tilespmem:s0+$0xFFFFFFF0];
	_ =	sdelay $0x1  }
0x9e: {  	v7 =	vimm.f32 $+Inf;
	v6 =	vld [tilespmem:s0+$0x0]  }
0x9f: {  	vm0 =	vlt.f32 v5, v7  }
0xa0: {  	v9 =	vimm.s32 $0x0;
	v10 =	vsel vm0, v5, v7;
	v5 =	vld [tilespmem:s0+$0x10]  }
0xa1: {  	s1 =	simm.s32 $0x1;
	s21 =	simm.s32 $0x101E0;
	v11 =	vsel vm0, s26, v9;
	vm15 =	vlt.f32 v8, v10  }
0xa2: {  	s22 =	simm.s32 $0x8;
	s0 =	simm.s32 $0x4;
	v7 =	vld [tilespmem:s21+$0xFFFFFFE0];
	v9 =	vsel vm15, v8, v10;
	v8 =	vsel vm15, s1, v11;
	s1 =	simm.s32 $0x0  }
.LBB2_10:
0xa3: {  	p0 =	slt.u32 s22, $0x1C;
	vm0 =	vlt.f32 v6, v9;
	s29 =	sadd.s32 $0x2, s1  }
0xa4: {  	v10 =	vld [tilespmem:s21+$0xFFFFFFF0];
	v9 =	vsel vm0, v6, v9;
	v8 =	vsel vm0, s29, v8  }
0xa5: {  	s29 =	sadd.s32 $0x3, s1;
	s1 =	smov.u32 s0;
	s0 =	smov.u32 s22;
	vm0 =	vlt.f32 v5, v9  }
.Ltmp3:
0xa6: {  	v6 =	vld [tilespmem:s21+$0x0];
	v5 =	vsel vm0, v5, v9;
	v8 =	vsel vm0, s29, v8;
	(pc) =	sbr.rel @p0 .LBB2_10-.Ltmp3, $4  }
0xa7: {  	vm0 =	vlt.f32 v7, v5  }
0xa8: {  	v9 =	vsel vm0, v7, v5;
	v8 =	vsel vm0, s1, v8;
	v5 =	vld [tilespmem:s21+$0x10]  }
0xa9: {  	s29 =	sadd.s32 $0x1, s1;
	s21 =	sadd.s32 $0x40, s21;
	vm0 =	vlt.f32 v10, v9  }
0xaa: {  	s22 =	sadd.s32 $0x4, s22;
	v7 =	vld [tilespmem:s21+$0xFFFFFFE0];
	v9 =	vsel vm0, v10, v9;
	v8 =	vsel vm0, s29, v8  }
0xab: {  	vm0 =	vlt.f32 v6, v9  }
0xac: {  	v10 =	vld [tilespmem:s21+$0xFFFFFFF0];
	v6 =	vsel vm0, v6, v9  }
0xad: {  	vm1 =	vlt.f32 v5, v6  }
0xae: {  	v9 =	vld [tilespmem:s21+$0x0];
	v5 =	vsel vm1, v5, v6  }
0xaf: {  	vm2 =	vlt.f32 v7, v5  }
0xb0: {  	v6 =	vld [tilespmem:s21+$0x10];
	v5 =	vsel vm2, v7, v5  }
0xb1: {  	vm3 =	vlt.f32 v10, v5  }
0xb2: {  	v5 =	vsel vm3, v10, v5  }
0xb3: {  	vm4 =	vlt.f32 v9, v5  }
0xb4: {  	v5 =	vsel vm4, v9, v5  }
0xb5: {  	vm5 =	vlt.f32 v6, v5  }
0xb6: {  	v6 =	vsel vm5, v6, v5  }
0xb7: {  	(xrf0) =	vmin.scan.msk.f32 $0xffff, v6;
	_ =	sdelay $0x1  }
0xb8: {  	s22 =	sadd.s32 $0x2, s1  }
0xb9: {  	v5 =	vsel vm0, s22, v8;
	s22 =	sadd.s32 $0x3, s1  }
0xba: {  	v5 =	vsel vm1, s22, v5  }
0xbb: {  	s21 =	sadd.s32 $0x1, s0;
	v5 =	vsel vm2, s0, v5  }
0xbc: {  	s22 =	sadd.s32 $0x2, s0;
	v5 =	vsel vm3, s21, v5;
	v7, _, _ =	vpop (xrf0)  }
0xbd: {  	s1 =	sadd.s32 $0x3, s0;
	v8 =	vsel vm4, s22, v5;
	v5 =	vbroadcast v7, $0xF  }
0xbe: {  	v7 =	vsel vm5, s1, v8  }
0xbf: {  	vm0 =	veq.f32 v6, v5;
	v6 =	vxor.u32 $0x80000000, v7  }
0xc0: {  	v6 =	vnsel vm0, $0xFFFFFFFF, v6  }
0xc1: {  	(xrf0) =	vmin.scan.msk.u32 $0xffff, v6;
	_ =	sdelay $0x5  }
0xc2: {  	v6, _, _ =	vpop (xrf0)  }
0xc3: {  	(v2sf) =	vpush v6, $0xF;
	_ =	sdelay $0xe  }
0xc4: {  	s29 =	spop (v2sf)  }
0xc5: {  	s21 =	sshll.u32 s29, $0xA  }
0xc6: {  	s30 =	sshra.s32 s21, $0x2  }
0xc7: {  	s0 =	sadd.s32 $0xE1A0, s30  }
0xc8: {  	v6 =	vld [tilespmem:s0+$0xFFFFFFE0];
	_ =	sdelay $0x2  }
0xc9: {  	v7 =	vld [tilespmem:s0+$0xFFFFFFF0]  }
0xca: {  	v8 =	vimm.s32 $0x7FFFFFFF  }
0xcb: {  	vm1 =	veq.s32 v8, $0x7FFFFFFF;
	vm0 =	veq.f32 v6, v5  }
0xcc: {  	s1 =	simm.s32 $0x0;
	v6 =	vld [tilespmem:s0+$0x0];
	vm0 =	vmand vm1, vm0  }
0xcd: {  	v8 =	vsel vm0, s1, v8  }
0xce: {  	vm0 =	veq.f32 v7, v5;
	vm1 =	veq.s32 v8, $0x7FFFFFFF  }
0xcf: {  	s22 =	simm.s32 $0x1;
	v7 =	vld [tilespmem:s0+$0x10];
	vm0 =	vmand vm0, vm1  }
0xd0: {  	v8 =	vsel vm0, s22, v8  }
0xd1: {  	s21 =	sadd.s32 $0x40, s0;
	vm0 =	veq.f32 v6, v5;
	vm1 =	veq.s32 v8, $0x7FFFFFFF  }
0xd2: {  	s31 =	simm.s32 $0x2;
	s0 =	simm.s32 $0x4;
	v6 =	vld [tilespmem:s21+$0xFFFFFFE0];
	s22 =	simm.s32 $0x8;
	vm0 =	vmand vm0, vm1  }
.LBB2_12:
0xd3: {  	p0 =	slt.u32 s22, $0xC;
	v8 =	vsel vm0, s31, v8  }
0xd4: {  	vm0 =	veq.f32 v7, v5;
	vm1 =	veq.s32 v8, $0x7FFFFFFF  }
0xd5: {  	s31 =	sadd.s32 $0x3, s1;
	s1 =	smov.u32 s0;
	s0 =	smov.u32 s22;
	v7 =	vld [tilespmem:s21+$0xFFFFFFF0];
	vm0 =	vmand vm0, vm1  }
0xd6: {  	v8 =	vsel vm0, s31, v8  }
0xd7: {  	vm0 =	veq.f32 v6, v5;
	vm1 =	veq.s32 v8, $0x7FFFFFFF  }
0xd8: {  	vm0 =	vmand vm1, vm0;
	v6 =	vld [tilespmem:s21+$0x0]  }
0xd9: {  	v8 =	vsel vm0, s1, v8  }
.Ltmp4:
0xda: {  	vm0 =	veq.f32 v7, v5;
	vm1 =	veq.s32 v8, $0x7FFFFFFF;
	(pc) =	sbr.rel @p0 .LBB2_12-.Ltmp4, $4  }
0xdb: {  	s31 =	sadd.s32 $0x1, s1;
	vm0 =	vmand vm0, vm1;
	v7 =	vld [tilespmem:s21+$0x10]  }
0xdc: {  	v8 =	vsel vm0, s31, v8  }
0xdd: {  	s21 =	sadd.s32 $0x40, s21;
	vm0 =	veq.f32 v6, v5;
	vm1 =	veq.s32 v8, $0x7FFFFFFF  }
0xde: {  	s22 =	sadd.s32 $0x4, s22;
	s31 =	sadd.s32 $0x2, s1;
	v6 =	vld [tilespmem:s21+$0xFFFFFFE0];
	vm0 =	vmand vm0, vm1  }
0xdf: {  	v8 =	vsel vm0, s31, v8  }
0xe0: {  	vm5 =	veq.f32 v7, v5;
	vm1 =	veq.s32 v8, $0x7FFFFFFF  }
0xe1: {  	s1 =	sadd.s32 $0x3, s1;
	v7 =	vld [tilespmem:s21+$0xFFFFFFF0];
	vm0 =	vmand vm5, vm1  }
0xe2: {  	v8 =	vsel vm0, s1, v8  }
0xe3: {  	vm6 =	veq.f32 v6, v5;
	vm7 =	veq.s32 v8, $0x7FFFFFFF  }
0xe4: {  	v6 =	vld [tilespmem:s21+$0x0];
	vm0 =	vmand vm7, vm6  }
0xe5: {  	v8 =	vsel vm0, s0, v8  }
0xe6: {  	vm8 =	veq.f32 v7, v5;
	vm9 =	veq.s32 v8, $0x7FFFFFFF  }
0xe7: {  	s31 =	sadd.s32 $0x1, s0;
	v7 =	vld [tilespmem:s21+$0x10];
	vm0 =	vmand vm8, vm9  }
0xe8: {  	v8 =	vsel vm0, s31, v8  }
0xe9: {  	vm10 =	veq.f32 v6, v5;
	vm11 =	veq.s32 v8, $0x7FFFFFFF  }
0xea: {  	s21 =	sadd.s32 $0x2, s0;
	vm0 =	vmand vm10, vm11  }
0xeb: {  	v6 =	vsel vm0, s21, v8  }
0xec: {  	vm12 =	veq.f32 v7, v5;
	vm13 =	veq.s32 v6, $0x7FFFFFFF  }
0xed: {  	s22 =	sadd.s32 $0x3, s0;
	vm0 =	vmand vm12, vm13  }
0xee: {  	v5 =	vsel vm0, s22, v6  }
0xef: {  	v6 =	vshll.u32 v5, $0x4  }
0xf0: {  	vm0 =	veq.s32 v5, $0x7FFFFFFF;
	v5 =	vxor.u32 v1, v6  }
0xf1: {  	v5 =	vsel vm0, $0xFFFFFFFF, v5  }
0xf2: {  	(xrf0) =	vmin.scan.msk.u32 $0xffff, v5;
	_ =	sdelay $0x5  }
0xf3: {  	v5, _, _ =	vpop (xrf0)  }
0xf4: {  	(v2sf) =	vpush v5, $0xF;
	_ =	sdelay $0xb  }
0xf5: {  	s0 =	sand.u32 $0x10, s28  }
0xf6: {  	v5 =	vld [tilespmem:s0+$0x10380];
	_ =	sdelay $0x1  }
0xf7: {  	s31 =	sshll.u32 s29, $0x8;
	s22 =	sand.u32 $0xF, s28;
	s1 =	spop (v2sf)  }
0xf8: {  	v6 =	vmov s22;
	s21 =	sadd.s32 s1, s31  }
0xf9: {  	vm14 =	veq.s32 v6, v0;
	s21 =	sadd.s32 $0x80000000, s21  }
0xfa: {  	s31 =	sand.u32 $0x70, s1;
	v5 =	vsel vm14, s21, v5;
	s21 =	sand.u32 $0xFFFFFF80, s21  }
0xfb: {  	[tilespmem:s0+$0x10380] =	vst v5;
	s22 =	sor.u32 s31, s21  }
0xfc: {  	v5 =	vld [tilespmem:s22+$0xE180];
	_ =	sdelay $0x1  }
0xfd: {  	s1 =	sand.u32 $0xF, s1  }
0xfe: {  	v6 =	vmov s1  }
0xff: {  	vm15 =	veq.s32 v6, v0  }
0x100: {  	v5 =	vsel vm15, $0x7F800000, v5  }
0x101: {  	[tilespmem:s22+$0xE180] =	vst v5  }
0x102: {  	v5 =	vld [tilespmem:s30+$0xE180]  }
0x103: {  	v6 =	vld [tilespmem:s30+$0xE190]  }
0x104: {  	v7 =	vld [tilespmem:s30+$0xE1A0]  }
0x105: {  	v57 =	vld [tilespmem:s30+$0xE1B0]  }
0x106: {  	v9 =	vld [tilespmem:s30+$0xE1C0]  }
0x107: {  	v10 =	vld [tilespmem:s30+$0xE1D0]  }
0x108: {  	v5 =	vmin.f32 v5, v6;
	v6 =	vld [tilespmem:s30+$0xE1E0]  }
0x109: {  	v5 =	vmin.f32 v5, v7;
	v7 =	vld [tilespmem:s30+$0xE1F0]  }
0x10a: {  	v58 =	vld [tilespmem:s30+$0xE200];
	v5 =	vmin.f32 v5, v57  }
0x10b: {  	v59 =	vld [tilespmem:s30+$0xE210];
	v5 =	vmin.f32 v5, v9  }
0x10c: {  	v60 =	vld [tilespmem:s30+$0xE220];
	v5 =	vmin.f32 v5, v10  }
0x10d: {  	v5 =	vmin.f32 v5, v6;
	v6 =	vld [tilespmem:s30+$0xE230]  }
0x10e: {  	v5 =	vmin.f32 v5, v7;
	v7 =	vld [tilespmem:s30+$0xE240]  }
0x10f: {  	v61 =	vld [tilespmem:s30+$0xE250];
	v5 =	vmin.f32 v5, v58  }
0x110: {  	v62 =	vld [tilespmem:s30+$0xE260];
	v5 =	vmin.f32 v5, v59  }
0x111: {  	s28 =	sadd.s32 $0x1, s28;
	v63 =	vld [tilespmem:s30+$0xE270];
	v5 =	vmin.f32 v5, v60  }
0x112: {  	p0 =	sne.s32 s28, $0x20;
	v5 =	vmin.f32 v5, v6  }
.Ltmp5:
0x113: {  	v5 =	vmin.f32 v5, v7;
	(pc) =	sbr.rel @p0 .LBB2_9-.Ltmp5, $4  }
0x114: {  	v5 =	vmin.f32 v5, v61  }
0x115: {  	s31 =	sshll.u32 s29, $0x6;
	v5 =	vmin.f32 v5, v62  }
0x116: {  	s0 =	sshra.s32 s31, $0x2;
	v5 =	vmin.f32 v5, v63  }
0x117: {  	[tilespmem:s0+$0x10180] =	vst v5  }
0x118: {  	v5 =	vld [tilespmem:$0x10380];
	_ =	sdelay $0x6  }
0x119: {  	v6 =	vld [tilespmem:$0x10390]  }
0x11a: {  	v7 =	vld.idx.msk [tilespmem:v5+s2+$0x0], $0xffff;
	_ =	sdelay $0x4  }
0x11b: {  	v7 =	vsub.f32 v7, v4  }
0x11c: {  	s0 =	sshll.u32 s25, $0x7  }
0x11d: {  	[tilespmem:s0+$0x10400] =	vst v7  }
0x11e: {  	v7 =	vld.idx.msk [tilespmem:v6+s2+$0x0], $0xffff;
	_ =	sdelay $0x4  }
0x11f: {  	v63 =	vsub.f32 v7, v4;
	_ =	sdelay $0x1  }
0x120: {  	[tilespmem:s0+$0x10410] =	vst v63  }
0x121: {  	v4 =	vld.idx.msk [tilespmem:v5+s16+$0x0], $0xffff;
	_ =	sdelay $0x4  }
0x122: {  	v4 =	vsub.f32 v4, v3;
	_ =	sdelay $0x1  }
0x123: {  	[tilespmem:s0+$0x14400] =	vst v4  }
0x124: {  	v4 =	vld.idx.msk [tilespmem:v6+s16+$0x0], $0xffff;
	_ =	sdelay $0x4  }
0x125: {  	v3 =	vsub.f32 v4, v3;
	_ =	sdelay $0x1  }
0x126: {  	[tilespmem:s0+$0x14410] =	vst v3  }
0x127: {  	v3 =	vld.idx.msk [tilespmem:v5+s17+$0x0], $0xffff;
	_ =	sdelay $0x4  }
0x128: {  	v3 =	vsub.f32 v3, v2;
	_ =	sdelay $0x1  }
0x129: {  	[tilespmem:s0+$0x18400] =	vst v3  }
0x12a: {  	v3 =	vld.idx.msk [tilespmem:v6+s17+$0x0], $0xffff  }
0x12b: {  	s25 =	sadd.s32 $0x1, s25  }
0x12c: {  	p0 =	sne.s32 s25, $0x80  }
.Ltmp6:
0x12d: {  	_ = 	snop;
	(pc) =	sbr.rel @p0 .LBB2_4-.Ltmp6, $3  }
0x12e: {  	_ = 	snop  }
0x12f: {  	v2 =	vsub.f32 v3, v2;
	_ =	sdelay $0x1  }
0x130: {  	[tilespmem:s0+$0x18410] =	vst v2  }
0x131: {  	s0 =	simm.s32 $0x10400  }
0x132: {  	[hbm4b:s9+s2] =	stream.linear.scatter [tilespmem:s0], [sflag:$0x1], $0x4000, $0x38;
	[tilespmem:$0x1C400] =	vst v63  }
0x133: {  	_ =	swait.ge [sflag:s15], $0x4000  }
0x134: {  	[sflag:s15] =	ssyncset.done $0x0  }
0x135: {  	s31 =	simm.s32 $0x14400;
	[sflag:s15] =	ssyncadd.s32 $0xFFFFC000  }
0x136: {  	[hbm4b:s10+s2] =	stream.linear.scatter [tilespmem:s31], [sflag:$0x1], $0x4000, $0x38;
	[tilespmem:$0x1C400] =	vst v63  }
0x137: {  	s24 =	sadd.s32 $0x1, s24;
	_ =	swait.ge [sflag:s15], $0x4000  }
0x138: {  	p0 =	sne.s32 s24, s12;
	[sflag:s15] =	ssyncset.done $0x0  }
.Ltmp7:
0x139: {  	[sflag:s15] =	ssyncadd.s32 $0xFFFFC000;
	(pc) =	sbr.rel @p0 .LBB2_1-.Ltmp7, $4  }
0x13a: {  	[hbm4b:s11+s2] =	stream.linear.scatter [tilespmem:s23], [sflag:$0x1], $0x4000, $0x38;
	[tilespmem:$0x1C400] =	vst v63  }
0x13b: {  	_ =	swait.ge [sflag:s15], $0x4000  }
0x13c: {  	[sflag:s15] =	ssyncset.done $0x0  }
0x13d: {  	[sflag:s15] =	ssyncadd.s32 $0xFFFFC000  }
0x13e: {  	_ =	sfence.sel $0x180000  }
0x13f: {  	[bflag:$0x0] =	sbarrier.arrive $0xFFFF  }
0x140: {  	_ =	strace $0x9000004A  }
0x141: {  	s0 =	stileid.u32;
	[bflag:$0x2] =	sbarrier.arrive $0xFFFF  }
0x142: {  	p0 =	sne.s32 s0, $0x0;
	s0 =	rddreg [dreg:$0x2]  }
0x143: {  	s0 =	sadd.s32 @!p0 $0x100000, s0  }
0x144: {  	[sflag:s0] =	ssyncadd.tile.s32 @!p0 $0x1;
	_ =	shalt  }
.Lfunc_end2:
_tile_overlayer_lowered:
.L_overlay_start_2:
0x145: {  	(tag) =	ssettag $0x2  }
0x146: {  	s0 =	rddreg [dreg:$0x0];
	s2 =	stileid.u32  }
0x147: {  	s1 =	rddreg [dreg:$0x1];
	p0 =	sne.s32 s2, $0x0  }
0x148: {  	s3 =	rddreg [dreg:$0x2];
	[bflag:$0x3] =	sbarrier.arrive $0xFFFF;
	s2 =	simm.s32 @!p0 $0x1C01  }
0x149: {  	[timem:s3], [sflag:s2] =	dma.local @!p0 [hbm:s0], s1  }
0x14a: {  	s0 =	simm.s32 @!p0 $0x1  }
0x14b: {  	_ =	swait.ge @!p0 [sflag:s0], s1  }
0x14c: {  	s1 =	ssub.s32 @!p0 $0x0, s1;
	[sflag:s0] =	ssyncset.done @!p0 $0x0  }
0x14d: {  	[sflag:s0] =	ssyncadd.s32 @!p0 s1  }
0x14e: {  	[bflag:$0x3] =	sbarrier.arrive $0xFFFF  }
0x14f: {  	_ =	shalt  }

</sc_bundles>
